<compile_context>
chip_gen: v7x
topology: tpu7x:2x2x1
jax: 0.10.2.dev20260603
libtpu: 0.0.44.dev20260713+nightly
codegen_flags: <defaults>
</compile_context>

<pallas_src>
import functools

import jax
import jax.numpy as jnp
from jax import lax
from jax.experimental import pallas as pl
from jax.experimental.pallas import tpu as pltpu
from jax.experimental.pallas import tpu_sc as plsc

B, H, W = 16, 512, 512
N = B * H * W
NC, NS, L = 2, 16, 16
NW = NC * NS

SC_IMGS = 4
TC_IMGS = B - SC_IMGS
ROWS_W = SC_IMGS * H // NW
CROWS = 32
NCHUNK = ROWS_W // CROWS

_C23 = float.fromhex('0x1.555556p-1')
_C25 = 0.4
_C27 = float.fromhex('0x1.24924ap-2')
_LMAX = 18.420680743952367


def _focal_body(logit_hbm, target_hbm, out_hbm, lbuf, tbuf, accv, sem0, sem1):
    wid = lax.axis_index("s") * NC + lax.axis_index("c")
    row0 = wid * ROWS_W
    b = row0 // H
    r0 = row0 % H
    sems = (sem0, sem1)

    def issue(g, slot):
        r = r0 + g * CROWS
        cl = pltpu.async_copy(logit_hbm.at[b, 0, pl.ds(r, CROWS), :],
                              lbuf.at[slot], sems[slot])
        ct = pltpu.async_copy(target_hbm.at[b, 0, pl.ds(r, CROWS), :],
                              tbuf.at[slot], sems[slot])
        return (cl, ct)

    def chunk_sum(slot, acc):
        def body(i, acc):
            r = i >> 5
            c = (i & 31) * L
            x = lbuf[slot, r, pl.ds(pl.multiple_of(c, L), L)]
            t = tbuf[slot, r, pl.ds(pl.multiple_of(c, L), L)]
            xb = lax.bitcast_convert_type(x, jnp.int32)
            wb = xb ^ (t << 31)
            w = lax.bitcast_convert_type(wb, jnp.float32)
            nu = lax.bitcast_convert_type(wb | jnp.int32(-2147483648),
                                          jnp.float32)
            a = jnp.exp(nu)
            one_a = a + 1.0
            two_a = a + 2.0
            pr = 1.0 / (one_a * two_a)
            dd = pr * two_a
            tt = (a * one_a) * pr
            omp = jnp.where(wb >= 0, dd, a * dd)
            t2 = tt * tt
            log1pa = tt * (2.0 + t2 * (_C23 + t2 * (_C25 + t2 * _C27)))
            sp = jnp.minimum(jnp.maximum(w, 0.0) + log1pa, _LMAX)
            return acc + (omp * omp) * sp
        return lax.fori_loop(0, CROWS * W // L, body, acc, unroll=2)

    pend = [issue(0, 0), None]
    acc = jnp.zeros((L,), jnp.float32)
    for g in range(NCHUNK):
        slot = g & 1
        if g + 1 < NCHUNK:
            pend[1 - slot] = issue(g + 1, 1 - slot)
        for cp in pend[slot]:
            cp.wait()
        acc = chunk_sum(slot, acc)
    accv[...] = acc
    pltpu.sync_copy(accv, out_hbm.at[wid])


_focal_sc = functools.partial(
    pl.kernel,
    out_type=jax.ShapeDtypeStruct((NW, L), jnp.float32),
    mesh=plsc.VectorSubcoreMesh(core_axis_name="c", subcore_axis_name="s"),
    compiler_params=pltpu.CompilerParams(use_tc_tiling_on_sc=True,
                                         disable_bounds_checks=True,
                                         disable_semaphore_checks=True,
                                         skip_device_barrier=True),
    scratch_types=[
        pltpu.VMEM((2, CROWS, W), jnp.float32),
        pltpu.VMEM((2, CROWS, W), jnp.int32),
        pltpu.VMEM((L,), jnp.float32),
        pltpu.SemaphoreType.DMA,
        pltpu.SemaphoreType.DMA,
    ],
)(_focal_body)


IMGB = 1
TC_ROWS = IMGB * H
TC_STEPS = TC_IMGS // IMGB


def _focal_tc_body(x_ref, t_ref, o_ref):
    @pl.when(pl.program_id(0) == 0)
    def _init():
        o_ref[...] = jnp.zeros_like(o_ref)
    x = x_ref[...].reshape(TC_ROWS, W)
    t = t_ref[...].reshape(TC_ROWS, W)
    xb = lax.bitcast_convert_type(x, jnp.int32)
    wb = xb ^ (t << 31)
    w = lax.bitcast_convert_type(wb, jnp.float32)
    nu = lax.bitcast_convert_type(wb | jnp.int32(-2147483648),
                                  jnp.float32)
    omp = 0.5 + 0.5 * jnp.tanh(0.5 * w)
    sp = jnp.minimum(jnp.maximum(w, 0.0) + jnp.log1p(jnp.exp(nu)), _LMAX)
    loss = (omp * omp) * sp
    o_ref[...] += jnp.sum(loss.reshape(TC_ROWS // 8, 8, W), axis=0)


def _tc_idx(i):
    return (SC_IMGS // IMGB + i, 0, 0, 0)


_focal_tc = pl.pallas_call(
    _focal_tc_body,
    grid=(TC_STEPS,),
    in_specs=[pl.BlockSpec((IMGB, 1, H, W), _tc_idx),
              pl.BlockSpec((IMGB, 1, H, W), _tc_idx)],
    out_specs=pl.BlockSpec((8, W), lambda i: (0, 0)),
    out_shape=jax.ShapeDtypeStruct((8, W), jnp.float32),
)


def kernel(logit, target):
    sc_part = _focal_sc(logit, target)
    tc_part = _focal_tc(logit, target)
    return (jnp.sum(sc_part) + jnp.sum(tc_part)) * jnp.float32(1.0 / N)

# --- scband reference (transcript-rebuilt; emitter-appended) ---
"""Pipeline reference for scband-robust-focal-loss2d-15908558865227 (READ-ONLY COPY).

The authoritative reference and input builder live on the scoring server;
editing this copy changes nothing except your own understanding.
"""

import jax, jax.numpy as jnp
import numpy as np

GAMMA = 2


def setup_inputs(seed: int = 0) -> dict:
    key = jax.random.key(seed)
    k1, k2 = jax.random.split(key)
    logit = jax.random.normal(k1, (16, 1, 512, 512), dtype=jnp.float32)
    target = jax.random.randint(k2, (16, 1, 512, 512), 0, 2, dtype=jnp.int32)
    return {"logit": logit, "target": target}


def reference(logit, target):
    # sigmoid path of RobustFocalLoss2d, gamma=2, size_average=True,
    # class_weight defaults to [1, 1]
    t = target.reshape(-1).astype(jnp.int32)
    prob = jax.nn.sigmoid(logit).reshape(-1)
    prob2 = jnp.stack([1.0 - prob, prob], axis=1)  # [N, 2]
    select = jax.nn.one_hot(t, 2, dtype=prob2.dtype)  # scatter_(1, target, 1.0)
    class_weight = jnp.ones((2, 1), dtype=jnp.float32)
    cw = jnp.take(class_weight, t, axis=0).reshape(-1)  # torch.gather(class_weight, 0, target)
    p = jnp.sum(prob2 * select, axis=1)
    p = jnp.clip(p, 1e-08, 1.0 - 1e-08)
    focus = jnp.power(1.0 - p, GAMMA)
    focus = jnp.clip(focus, 0.0, 2.0)
    batch_loss = -cw * focus * jnp.log(p)
    loss = batch_loss.mean()
    return loss

if __name__ == "__main__":
    import jax
    _d = setup_inputs()
    print(jax.jit(kernel)(*tuple(_d.values())))

</pallas_src>

<mosaic_0001>
#map = affine_map<(d0, d1) -> (0, 0, 0, 0)>
#map1 = affine_map<(d0, d1) -> (0, 0)>
module attributes {stable_mosaic.version = 14 : i64} {
  func.func @_focal_body(%arg0: i32, %arg1: i32, %arg2: memref<16x1x512x512xf32, #tpu.memory_space<hbm>>, %arg3: memref<16x1x512x512xi32, #tpu.memory_space<hbm>>, %arg4: memref<32x16xf32, #tpu.memory_space<hbm>>, %arg5: memref<2x32x512xf32, #tpu.memory_space<vmem>>, %arg6: memref<2x32x512xi32, #tpu.memory_space<vmem>>, %arg7: memref<16xf32, #tpu.memory_space<vmem>>, %arg8: memref<!tpu.dma_semaphore, #tpu.memory_space<semaphore_mem>>, %arg9: memref<!tpu.dma_semaphore, #tpu.memory_space<semaphore_mem>>) attributes {dimension_semantics = [#tpu.dimension_semantics<core_parallel>, #tpu.dimension_semantics<subcore_parallel>], iteration_bounds = array<i64: 2, 16>, scalar_prefetch = 0 : i64, scratch_operands = 5 : i64, tpu.core_type = #tpu.core_type<sc_vector_subcore>, window_params = [{transform_indices = #map}, {transform_indices = #map}, {transform_indices = #map1}]} {
    %mul3A = arith.constant 2 : i32
    %mul3A_0 = arith.muli %arg1, %mul3A : i32
    %add3A = arith.addi %mul3A_0, %arg0 : i32
    %mul3A_1 = arith.constant 64 : i32
    %mul3A_2 = arith.muli %add3A, %mul3A_1 : i32
    %jit3A = arith.constant 512 : i32
    %div3A = arith.divsi %mul3A_2, %jit3A : i32
    %sign3A = arith.constant 0 : i32
    %sign3A_3 = arith.cmpi sgt, %mul3A_2, %sign3A : i32
    %sign3A_4 = arith.extui %sign3A_3 : i1 to i32
    %sign3A_5 = arith.constant 0 : i32
    %sign3A_6 = arith.cmpi slt, %mul3A_2, %sign3A_5 : i32
    %sign3A_7 = arith.extui %sign3A_6 : i1 to i32
    %sign3A_8 = arith.subi %sign3A_4, %sign3A_7 : i32
    %sign3A_9 = arith.constant 0 : i32
    %sign3A_10 = arith.cmpi sgt, %jit3A, %sign3A_9 : i32
    %sign3A_11 = arith.extui %sign3A_10 : i1 to i32
    %sign3A_12 = arith.constant 0 : i32
    %sign3A_13 = arith.cmpi slt, %jit3A, %sign3A_12 : i32
    %sign3A_14 = arith.extui %sign3A_13 : i1 to i32
    %sign3A_15 = arith.subi %sign3A_11, %sign3A_14 : i32
    %ne3A = arith.cmpi ne, %sign3A_8, %sign3A_15 : i32
    %rem3A = arith.remsi %mul3A_2, %jit3A : i32
    %ne3A_16 = arith.constant 0 : i32
    %ne3A_17 = arith.cmpi ne, %rem3A, %ne3A_16 : i32
    %and3A = arith.andi %ne3A, %ne3A_17 : i1
    %sub3A = arith.constant 1 : i32
    %sub3A_18 = arith.subi %div3A, %sub3A : i32
    %select_n3A = arith.select %and3A, %sub3A_18, %div3A : i32
    %jit3A_19 = arith.constant 512 : i32
    %eq3A = arith.constant 0 : i32
    %eq3A_20 = arith.cmpi eq, %jit3A_19, %eq3A : i32
    %jit3A_21 = arith.constant 1 : i32
    %select_n3A_22 = arith.select %eq3A_20, %jit3A_21, %jit3A_19 : i32
    %rem3A_23 = arith.remsi %mul3A_2, %select_n3A_22 : i32
    %ne3A_24 = arith.constant 0 : i32
    %ne3A_25 = arith.cmpi ne, %rem3A_23, %ne3A_24 : i32
    %lt3A = arith.constant 0 : i32
    %lt3A_26 = arith.cmpi slt, %rem3A_23, %lt3A : i32
    %lt3A_27 = arith.constant 0 : i32
    %lt3A_28 = arith.cmpi slt, %select_n3A_22, %lt3A_27 : i32
    %ne3A_29 = arith.xori %lt3A_26, %lt3A_28 : i1
    %and3A_30 = arith.andi %ne3A_29, %ne3A_25 : i1
    %add3A_31 = arith.addi %rem3A_23, %select_n3A_22 : i32
    %select_n3A_32 = arith.select %and3A_30, %add3A_31, %rem3A_23 : i32
    %add3A_33 = arith.constant 0 : i32
    %add3A_34 = arith.addi %select_n3A_32, %add3A_33 : i32
    %dma_start3A = arith.constant 0 : i32
    %dma_start3A_35 = arith.constant 0 : i32
    %dma_start3A_36 = arith.constant 0 : i32
    %dma_start3A_37 = arith.constant 0 : i32
    %dma_start3A_38 = tpu.memref_slice %arg5[%dma_start3A_35, %dma_start3A_36, %dma_start3A_37] : memref<2x32x512xf32, #tpu.memory_space<vmem>> -> memref<1x32x512xf32, #tpu.memory_space<vmem>>
    %dma_start3A_39 = tpu.memref_squeeze %dma_start3A_38 : memref<1x32x512xf32, #tpu.memory_space<vmem>> -> memref<32x512xf32, #tpu.memory_space<vmem>>
    %dma_start3A_40 = arith.constant 0 : i32
    %dma_start3A_41 = tpu.memref_slice %arg2[%select_n3A, %dma_start3A, %add3A_34, %dma_start3A_40] : memref<16x1x512x512xf32, #tpu.memory_space<hbm>> -> memref<1x1x32x512xf32, #tpu.memory_space<hbm>>
    %dma_start3A_42 = tpu.memref_squeeze %dma_start3A_41 : memref<1x1x32x512xf32, #tpu.memory_space<hbm>> -> memref<32x512xf32, #tpu.memory_space<hbm>>
    %dma_start3A_43 = arith.constant 0 : i32
    %dma_start3A_44 = arith.constant 0 : i32
    %dma_start3A_45 = tpu.memref_slice %arg5[%dma_start3A_35, %dma_start3A_43, %dma_start3A_44] : memref<2x32x512xf32, #tpu.memory_space<vmem>> -> memref<1x32x512xf32, #tpu.memory_space<vmem>>
    %dma_start3A_46 = tpu.memref_squeeze %dma_start3A_45 : memref<1x32x512xf32, #tpu.memory_space<vmem>> -> memref<32x512xf32, #tpu.memory_space<vmem>>
    %dma_start3A_47 = arith.constant 0 : i32
    %dma_start3A_48 = tpu.memref_slice %arg2[%select_n3A, %dma_start3A, %add3A_34, %dma_start3A_47] : memref<16x1x512x512xf32, #tpu.memory_space<hbm>> -> memref<1x1x32x512xf32, #tpu.memory_space<hbm>>
    %dma_start3A_49 = tpu.memref_squeeze %dma_start3A_48 : memref<1x1x32x512xf32, #tpu.memory_space<hbm>> -> memref<32x512xf32, #tpu.memory_space<hbm>>
    tpu.enqueue_dma source(%dma_start3A_49 : memref<32x512xf32, #tpu.memory_space<hbm>>) target(%dma_start3A_46 : memref<32x512xf32, #tpu.memory_space<vmem>>) target_semaphore(%arg8 : memref<!tpu.dma_semaphore, #tpu.memory_space<semaphore_mem>>)
    %dma_start3A_50 = arith.constant 0 : i32
    %dma_start3A_51 = arith.constant 0 : i32
    %dma_start3A_52 = arith.constant 0 : i32
    %dma_start3A_53 = arith.constant 0 : i32
    %dma_start3A_54 = tpu.memref_slice %arg6[%dma_start3A_51, %dma_start3A_52, %dma_start3A_53] : memref<2x32x512xi32, #tpu.memory_space<vmem>> -> memref<1x32x512xi32, #tpu.memory_space<vmem>>
    %dma_start3A_55 = tpu.memref_squeeze %dma_start3A_54 : memref<1x32x512xi32, #tpu.memory_space<vmem>> -> memref<32x512xi32, #tpu.memory_space<vmem>>
    %dma_start3A_56 = arith.constant 0 : i32
    %dma_start3A_57 = tpu.memref_slice %arg3[%select_n3A, %dma_start3A_50, %add3A_34, %dma_start3A_56] : memref<16x1x512x512xi32, #tpu.memory_space<hbm>> -> memref<1x1x32x512xi32, #tpu.memory_space<hbm>>
    %dma_start3A_58 = tpu.memref_squeeze %dma_start3A_57 : memref<1x1x32x512xi32, #tpu.memory_space<hbm>> -> memref<32x512xi32, #tpu.memory_space<hbm>>
    %dma_start3A_59 = arith.constant 0 : i32
    %dma_start3A_60 = arith.constant 0 : i32
    %dma_start3A_61 = tpu.memref_slice %arg6[%dma_start3A_51, %dma_start3A_59, %dma_start3A_60] : memref<2x32x512xi32, #tpu.memory_space<vmem>> -> memref<1x32x512xi32, #tpu.memory_space<vmem>>
    %dma_start3A_62 = tpu.memref_squeeze %dma_start3A_61 : memref<1x32x512xi32, #tpu.memory_space<vmem>> -> memref<32x512xi32, #tpu.memory_space<vmem>>
    %dma_start3A_63 = arith.constant 0 : i32
    %dma_start3A_64 = tpu.memref_slice %arg3[%select_n3A, %dma_start3A_50, %add3A_34, %dma_start3A_63] : memref<16x1x512x512xi32, #tpu.memory_space<hbm>> -> memref<1x1x32x512xi32, #tpu.memory_space<hbm>>
    %dma_start3A_65 = tpu.memref_squeeze %dma_start3A_64 : memref<1x1x32x512xi32, #tpu.memory_space<hbm>> -> memref<32x512xi32, #tpu.memory_space<hbm>>
    tpu.enqueue_dma source(%dma_start3A_65 : memref<32x512xi32, #tpu.memory_space<hbm>>) target(%dma_start3A_62 : memref<32x512xi32, #tpu.memory_space<vmem>>) target_semaphore(%arg8 : memref<!tpu.dma_semaphore, #tpu.memory_space<semaphore_mem>>)
    %broadcast_in_dim3A = arith.constant 0.000000e+00 : f32
    %broadcast_in_dim3A_66 = vector.broadcast %broadcast_in_dim3A : f32 to vector<16xf32>
    %add3A_67 = arith.constant 32 : i32
    %add3A_68 = arith.addi %select_n3A_32, %add3A_67 : i32
    %dma_start3A_69 = arith.constant 0 : i32
    %dma_start3A_70 = arith.constant 1 : i32
    %dma_start3A_71 = arith.constant 0 : i32
    %dma_start3A_72 = arith.constant 0 : i32
    %dma_start3A_73 = tpu.memref_slice %arg5[%dma_start3A_70, %dma_start3A_71, %dma_start3A_72] : memref<2x32x512xf32, #tpu.memory_space<vmem>> -> memref<1x32x512xf32, #tpu.memory_space<vmem>>
    %dma_start3A_74 = tpu.memref_squeeze %dma_start3A_73 : memref<1x32x512xf32, #tpu.memory_space<vmem>> -> memref<32x512xf32, #tpu.memory_space<vmem>>
    %dma_start3A_75 = arith.constant 0 : i32
    %dma_start3A_76 = tpu.memref_slice %arg2[%select_n3A, %dma_start3A_69, %add3A_68, %dma_start3A_75] : memref<16x1x512x512xf32, #tpu.memory_space<hbm>> -> memref<1x1x32x512xf32, #tpu.memory_space<hbm>>
    %dma_start3A_77 = tpu.memref_squeeze %dma_start3A_76 : memref<1x1x32x512xf32, #tpu.memory_space<hbm>> -> memref<32x512xf32, #tpu.memory_space<hbm>>
    %dma_start3A_78 = arith.constant 0 : i32
    %dma_start3A_79 = arith.constant 0 : i32
    %dma_start3A_80 = tpu.memref_slice %arg5[%dma_start3A_70, %dma_start3A_78, %dma_start3A_79] : memref<2x32x512xf32, #tpu.memory_space<vmem>> -> memref<1x32x512xf32, #tpu.memory_space<vmem>>
    %dma_start3A_81 = tpu.memref_squeeze %dma_start3A_80 : memref<1x32x512xf32, #tpu.memory_space<vmem>> -> memref<32x512xf32, #tpu.memory_space<vmem>>
    %dma_start3A_82 = arith.constant 0 : i32
    %dma_start3A_83 = tpu.memref_slice %arg2[%select_n3A, %dma_start3A_69, %add3A_68, %dma_start3A_82] : memref<16x1x512x512xf32, #tpu.memory_space<hbm>> -> memref<1x1x32x512xf32, #tpu.memory_space<hbm>>
    %dma_start3A_84 = tpu.memref_squeeze %dma_start3A_83 : memref<1x1x32x512xf32, #tpu.memory_space<hbm>> -> memref<32x512xf32, #tpu.memory_space<hbm>>
    tpu.enqueue_dma source(%dma_start3A_84 : memref<32x512xf32, #tpu.memory_space<hbm>>) target(%dma_start3A_81 : memref<32x512xf32, #tpu.memory_space<vmem>>) target_semaphore(%arg9 : memref<!tpu.dma_semaphore, #tpu.memory_space<semaphore_mem>>)
    %dma_start3A_85 = arith.constant 0 : i32
    %dma_start3A_86 = arith.constant 1 : i32
    %dma_start3A_87 = arith.constant 0 : i32
    %dma_start3A_88 = arith.constant 0 : i32
    %dma_start3A_89 = tpu.memref_slice %arg6[%dma_start3A_86, %dma_start3A_87, %dma_start3A_88] : memref<2x32x512xi32, #tpu.memory_space<vmem>> -> memref<1x32x512xi32, #tpu.memory_space<vmem>>
    %dma_start3A_90 = tpu.memref_squeeze %dma_start3A_89 : memref<1x32x512xi32, #tpu.memory_space<vmem>> -> memref<32x512xi32, #tpu.memory_space<vmem>>
    %dma_start3A_91 = arith.constant 0 : i32
    %dma_start3A_92 = tpu.memref_slice %arg3[%select_n3A, %dma_start3A_85, %add3A_68, %dma_start3A_91] : memref<16x1x512x512xi32, #tpu.memory_space<hbm>> -> memref<1x1x32x512xi32, #tpu.memory_space<hbm>>
    %dma_start3A_93 = tpu.memref_squeeze %dma_start3A_92 : memref<1x1x32x512xi32, #tpu.memory_space<hbm>> -> memref<32x512xi32, #tpu.memory_space<hbm>>
    %dma_start3A_94 = arith.constant 0 : i32
    %dma_start3A_95 = arith.constant 0 : i32
    %dma_start3A_96 = tpu.memref_slice %arg6[%dma_start3A_86, %dma_start3A_94, %dma_start3A_95] : memref<2x32x512xi32, #tpu.memory_space<vmem>> -> memref<1x32x512xi32, #tpu.memory_space<vmem>>
    %dma_start3A_97 = tpu.memref_squeeze %dma_start3A_96 : memref<1x32x512xi32, #tpu.memory_space<vmem>> -> memref<32x512xi32, #tpu.memory_space<vmem>>
    %dma_start3A_98 = arith.constant 0 : i32
    %dma_start3A_99 = tpu.memref_slice %arg3[%select_n3A, %dma_start3A_85, %add3A_68, %dma_start3A_98] : memref<16x1x512x512xi32, #tpu.memory_space<hbm>> -> memref<1x1x32x512xi32, #tpu.memory_space<hbm>>
    %dma_start3A_100 = tpu.memref_squeeze %dma_start3A_99 : memref<1x1x32x512xi32, #tpu.memory_space<hbm>> -> memref<32x512xi32, #tpu.memory_space<hbm>>
    tpu.enqueue_dma source(%dma_start3A_100 : memref<32x512xi32, #tpu.memory_space<hbm>>) target(%dma_start3A_97 : memref<32x512xi32, #tpu.memory_space<vmem>>) target_semaphore(%arg9 : memref<!tpu.dma_semaphore, #tpu.memory_space<semaphore_mem>>)
    %dma_wait3A = arith.constant 0 : i32
    %dma_wait3A_101 = arith.constant 0 : i32
    %dma_wait3A_102 = arith.constant 0 : i32
    %dma_wait3A_103 = arith.constant 0 : i32
    %dma_wait3A_104 = tpu.memref_slice %arg5[%dma_wait3A_101, %dma_wait3A_102, %dma_wait3A_103] : memref<2x32x512xf32, #tpu.memory_space<vmem>> -> memref<1x32x512xf32, #tpu.memory_space<vmem>>
    %dma_wait3A_105 = tpu.memref_squeeze %dma_wait3A_104 : memref<1x32x512xf32, #tpu.memory_space<vmem>> -> memref<32x512xf32, #tpu.memory_space<vmem>>
    %dma_wait3A_106 = arith.constant 0 : i32
    %dma_wait3A_107 = tpu.memref_slice %arg2[%select_n3A, %dma_wait3A, %add3A_34, %dma_wait3A_106] : memref<16x1x512x512xf32, #tpu.memory_space<hbm>> -> memref<1x1x32x512xf32, #tpu.memory_space<hbm>>
    %dma_wait3A_108 = tpu.memref_squeeze %dma_wait3A_107 : memref<1x1x32x512xf32, #tpu.memory_space<hbm>> -> memref<32x512xf32, #tpu.memory_space<hbm>>
    %dma_wait3A_109 = arith.constant 0 : i32
    %dma_wait3A_110 = arith.constant 0 : i32
    %dma_wait3A_111 = tpu.memref_slice %arg5[%dma_wait3A_101, %dma_wait3A_109, %dma_wait3A_110] : memref<2x32x512xf32, #tpu.memory_space<vmem>> -> memref<1x32x512xf32, #tpu.memory_space<vmem>>
    %dma_wait3A_112 = tpu.memref_squeeze %dma_wait3A_111 : memref<1x32x512xf32, #tpu.memory_space<vmem>> -> memref<32x512xf32, #tpu.memory_space<vmem>>
    %dma_wait3A_113 = arith.constant 0 : i32
    %dma_wait3A_114 = tpu.memref_slice %arg2[%select_n3A, %dma_wait3A, %add3A_34, %dma_wait3A_113] : memref<16x1x512x512xf32, #tpu.memory_space<hbm>> -> memref<1x1x32x512xf32, #tpu.memory_space<hbm>>
    %dma_wait3A_115 = tpu.memref_squeeze %dma_wait3A_114 : memref<1x1x32x512xf32, #tpu.memory_space<hbm>> -> memref<32x512xf32, #tpu.memory_space<hbm>>
    tpu.wait_dma2 semaphore(%arg8 : memref<!tpu.dma_semaphore, #tpu.memory_space<semaphore_mem>>) src(%dma_wait3A_115 : memref<32x512xf32, #tpu.memory_space<hbm>>) dst(%dma_wait3A_112 : memref<32x512xf32, #tpu.memory_space<vmem>>)
    %dma_wait3A_116 = arith.constant 0 : i32
    %dma_wait3A_117 = arith.constant 0 : i32
    %dma_wait3A_118 = arith.constant 0 : i32
    %dma_wait3A_119 = arith.constant 0 : i32
    %dma_wait3A_120 = tpu.memref_slice %arg6[%dma_wait3A_117, %dma_wait3A_118, %dma_wait3A_119] : memref<2x32x512xi32, #tpu.memory_space<vmem>> -> memref<1x32x512xi32, #tpu.memory_space<vmem>>
    %dma_wait3A_121 = tpu.memref_squeeze %dma_wait3A_120 : memref<1x32x512xi32, #tpu.memory_space<vmem>> -> memref<32x512xi32, #tpu.memory_space<vmem>>
    %dma_wait3A_122 = arith.constant 0 : i32
    %dma_wait3A_123 = tpu.memref_slice %arg3[%select_n3A, %dma_wait3A_116, %add3A_34, %dma_wait3A_122] : memref<16x1x512x512xi32, #tpu.memory_space<hbm>> -> memref<1x1x32x512xi32, #tpu.memory_space<hbm>>
    %dma_wait3A_124 = tpu.memref_squeeze %dma_wait3A_123 : memref<1x1x32x512xi32, #tpu.memory_space<hbm>> -> memref<32x512xi32, #tpu.memory_space<hbm>>
    %dma_wait3A_125 = arith.constant 0 : i32
    %dma_wait3A_126 = arith.constant 0 : i32
    %dma_wait3A_127 = tpu.memref_slice %arg6[%dma_wait3A_117, %dma_wait3A_125, %dma_wait3A_126] : memref<2x32x512xi32, #tpu.memory_space<vmem>> -> memref<1x32x512xi32, #tpu.memory_space<vmem>>
    %dma_wait3A_128 = tpu.memref_squeeze %dma_wait3A_127 : memref<1x32x512xi32, #tpu.memory_space<vmem>> -> memref<32x512xi32, #tpu.memory_space<vmem>>
    %dma_wait3A_129 = arith.constant 0 : i32
    %dma_wait3A_130 = tpu.memref_slice %arg3[%select_n3A, %dma_wait3A_116, %add3A_34, %dma_wait3A_129] : memref<16x1x512x512xi32, #tpu.memory_space<hbm>> -> memref<1x1x32x512xi32, #tpu.memory_space<hbm>>
    %dma_wait3A_131 = tpu.memref_squeeze %dma_wait3A_130 : memref<1x1x32x512xi32, #tpu.memory_space<hbm>> -> memref<32x512xi32, #tpu.memory_space<hbm>>
    tpu.wait_dma2 semaphore(%arg8 : memref<!tpu.dma_semaphore, #tpu.memory_space<semaphore_mem>>) src(%dma_wait3A_131 : memref<32x512xi32, #tpu.memory_space<hbm>>) dst(%dma_wait3A_128 : memref<32x512xi32, #tpu.memory_space<vmem>>)
    %scan3A = arith.constant 0 : i32
    %scan3A_132 = arith.constant 1024 : i32
    %scan3A_133 = arith.addi %scan3A, %scan3A_132 : i32
    %scan3A_134 = arith.constant 2 : i32
    %scan3A_135 = scf.for %scan3A_178 = %scan3A to %scan3A_133 step %scan3A_134 iter_args(%scan3A_179 = %broadcast_in_dim3A_66) -> (vector<16xf32>)  : i32 {
      %shift_right_arithmetic3A = arith.constant 5 : i32
      %shift_right_arithmetic3A_180 = arith.shrsi %scan3A_178, %shift_right_arithmetic3A : i32
      %and3A_181 = arith.constant 31 : i32
      %and3A_182 = arith.andi %scan3A_178, %and3A_181 : i32
      %mul3A_183 = arith.constant 16 : i32
      %mul3A_184 = arith.muli %and3A_182, %mul3A_183 : i32
      %multiple_of3A = tpu.assume_multiple %mul3A_184, 16 : i32
      %get3A = arith.constant 0 : i32
      %get3A_185 = arith.index_cast %get3A : i32 to index
      %get3A_186 = arith.index_cast %shift_right_arithmetic3A_180 : i32 to index
      %get3A_187 = arith.index_cast %multiple_of3A : i32 to index
      %get3A_188 = tpu.vector_load %arg5[%get3A_185, %get3A_186, %get3A_187] {strides = array<i32>} : memref<2x32x512xf32, #tpu.memory_space<vmem>>, vector<1x1x16xf32>,
      %get3A_189 = vector.shape_cast %get3A_188 : vector<1x1x16xf32> to vector<16xf32>
      %multiple_of3A_190 = tpu.assume_multiple %mul3A_184, 16 : i32
      %get3A_191 = arith.constant 0 : i32
      %get3A_192 = arith.index_cast %get3A_191 : i32 to index
      %get3A_193 = arith.index_cast %shift_right_arithmetic3A_180 : i32 to index
      %get3A_194 = arith.index_cast %multiple_of3A_190 : i32 to index
      %get3A_195 = tpu.vector_load %arg6[%get3A_192, %get3A_193, %get3A_194] {strides = array<i32>} : memref<2x32x512xi32, #tpu.memory_space<vmem>>, vector<1x1x16xi32>,
      %get3A_196 = vector.shape_cast %get3A_195 : vector<1x1x16xi32> to vector<16xi32>
      %bitcast_convert_type3A = tpu.bitcast %get3A_189 : vector<16xf32> -> vector<16xi32>
      %shift_left3A = arith.constant 31 : i32
      %shift_left3A_197 = vector.broadcast %shift_left3A : i32 to vector<16xi32>
      %shift_left3A_198 = arith.shli %get3A_196, %shift_left3A_197 : vector<16xi32>
      %xor3A = arith.xori %bitcast_convert_type3A, %shift_left3A_198 : vector<16xi32>
      %bitcast_convert_type3A_199 = tpu.bitcast %xor3A : vector<16xi32> -> vector<16xf32>
      %or3A = arith.constant -2147483648 : i32
      %or3A_200 = vector.broadcast %or3A : i32 to vector<16xi32>
      %or3A_201 = arith.ori %xor3A, %or3A_200 : vector<16xi32>
      %bitcast_convert_type3A_202 = tpu.bitcast %or3A_201 : vector<16xi32> -> vector<16xf32>
      %exp3A = math.exp %bitcast_convert_type3A_202 : vector<16xf32>
      %add3A_203 = arith.constant 1.000000e+00 : f32
      %add3A_204 = vector.broadcast %add3A_203 : f32 to vector<16xf32>
      %add3A_205 = arith.addf %exp3A, %add3A_204 : vector<16xf32>
      %add3A_206 = arith.constant 2.000000e+00 : f32
      %add3A_207 = vector.broadcast %add3A_206 : f32 to vector<16xf32>
      %add3A_208 = arith.addf %exp3A, %add3A_207 : vector<16xf32>
      %mul3A_209 = arith.mulf %add3A_205, %add3A_208 : vector<16xf32>
      %div3A_210 = arith.constant 1.000000e+00 : f32
      %div3A_211 = vector.broadcast %div3A_210 : f32 to vector<16xf32>
      %div3A_212 = arith.divf %div3A_211, %mul3A_209 : vector<16xf32>
      %mul3A_213 = arith.mulf %div3A_212, %add3A_208 : vector<16xf32>
      %mul3A_214 = arith.mulf %exp3A, %add3A_205 : vector<16xf32>
      %mul3A_215 = arith.mulf %mul3A_214, %div3A_212 : vector<16xf32>
      %ge3A = arith.constant 0 : i32
      %ge3A_216 = vector.broadcast %ge3A : i32 to vector<16xi32>
      %ge3A_217 = arith.cmpi sge, %xor3A, %ge3A_216 : vector<16xi32>
      %mul3A_218 = arith.mulf %exp3A, %mul3A_213 : vector<16xf32>
      %select_n3A_219 = arith.select %ge3A_217, %mul3A_213, %mul3A_218 : vector<16xi1>, vector<16xf32>
      %mul3A_220 = arith.mulf %mul3A_215, %mul3A_215 : vector<16xf32>
      %mul3A_221 = arith.constant 0.285714298 : f32
      %mul3A_222 = vector.broadcast %mul3A_221 : f32 to vector<16xf32>
      %mul3A_223 = arith.mulf %mul3A_220, %mul3A_222 : vector<16xf32>
      %add3A_224 = arith.constant 4.000000e-01 : f32
      %add3A_225 = vector.broadcast %add3A_224 : f32 to vector<16xf32>
      %add3A_226 = arith.addf %add3A_225, %mul3A_223 : vector<16xf32>
      %mul3A_227 = arith.mulf %mul3A_220, %add3A_226 : vector<16xf32>
      %add3A_228 = arith.constant 0.666666686 : f32
      %add3A_229 = vector.broadcast %add3A_228 : f32 to vector<16xf32>
      %add3A_230 = arith.addf %add3A_229, %mul3A_227 : vector<16xf32>
      %mul3A_231 = arith.mulf %mul3A_220, %add3A_230 : vector<16xf32>
      %add3A_232 = arith.constant 2.000000e+00 : f32
      %add3A_233 = vector.broadcast %add3A_232 : f32 to vector<16xf32>
      %add3A_234 = arith.addf %add3A_233, %mul3A_231 : vector<16xf32>
      %mul3A_235 = arith.mulf %mul3A_215, %add3A_234 : vector<16xf32>
      %max3A = arith.constant 0.000000e+00 : f32
      %max3A_236 = vector.broadcast %max3A : f32 to vector<16xf32>
      %max3A_237 = arith.maximumf %bitcast_convert_type3A_199, %max3A_236 : vector<16xf32>
      %add3A_238 = arith.addf %max3A_237, %mul3A_235 : vector<16xf32>
      %min3A = arith.constant 18.420681 : f32
      %min3A_239 = vector.broadcast %min3A : f32 to vector<16xf32>
      %min3A_240 = arith.minimumf %add3A_238, %min3A_239 : vector<16xf32>
      %mul3A_241 = arith.mulf %select_n3A_219, %select_n3A_219 : vector<16xf32>
      %mul3A_242 = arith.mulf %mul3A_241, %min3A_240 : vector<16xf32>
      %add3A_243 = arith.addf %scan3A_179, %mul3A_242 : vector<16xf32>
      %scan3A_244 = arith.constant 1 : i32
      %scan3A_245 = arith.addi %scan3A_178, %scan3A_244 : i32
      %shift_right_arithmetic3A_246 = arith.constant 5 : i32
      %shift_right_arithmetic3A_247 = arith.shrsi %scan3A_245, %shift_right_arithmetic3A_246 : i32
      %and3A_248 = arith.constant 31 : i32
      %and3A_249 = arith.andi %scan3A_245, %and3A_248 : i32
      %mul3A_250 = arith.constant 16 : i32
      %mul3A_251 = arith.muli %and3A_249, %mul3A_250 : i32
      %multiple_of3A_252 = tpu.assume_multiple %mul3A_251, 16 : i32
      %get3A_253 = arith.constant 0 : i32
      %get3A_254 = arith.index_cast %get3A_253 : i32 to index
      %get3A_255 = arith.index_cast %shift_right_arithmetic3A_247 : i32 to index
      %get3A_256 = arith.index_cast %multiple_of3A_252 : i32 to index
      %get3A_257 = tpu.vector_load %arg5[%get3A_254, %get3A_255, %get3A_256] {strides = array<i32>} : memref<2x32x512xf32, #tpu.memory_space<vmem>>, vector<1x1x16xf32>,
      %get3A_258 = vector.shape_cast %get3A_257 : vector<1x1x16xf32> to vector<16xf32>
      %multiple_of3A_259 = tpu.assume_multiple %mul3A_251, 16 : i32
      %get3A_260 = arith.constant 0 : i32
      %get3A_261 = arith.index_cast %get3A_260 : i32 to index
      %get3A_262 = arith.index_cast %shift_right_arithmetic3A_247 : i32 to index
      %get3A_263 = arith.index_cast %multiple_of3A_259 : i32 to index
      %get3A_264 = tpu.vector_load %arg6[%get3A_261, %get3A_262, %get3A_263] {strides = array<i32>} : memref<2x32x512xi32, #tpu.memory_space<vmem>>, vector<1x1x16xi32>,
      %get3A_265 = vector.shape_cast %get3A_264 : vector<1x1x16xi32> to vector<16xi32>
      %bitcast_convert_type3A_266 = tpu.bitcast %get3A_258 : vector<16xf32> -> vector<16xi32>
      %shift_left3A_267 = arith.constant 31 : i32
      %shift_left3A_268 = vector.broadcast %shift_left3A_267 : i32 to vector<16xi32>
      %shift_left3A_269 = arith.shli %get3A_265, %shift_left3A_268 : vector<16xi32>
      %xor3A_270 = arith.xori %bitcast_convert_type3A_266, %shift_left3A_269 : vector<16xi32>
      %bitcast_convert_type3A_271 = tpu.bitcast %xor3A_270 : vector<16xi32> -> vector<16xf32>
      %or3A_272 = arith.constant -2147483648 : i32
      %or3A_273 = vector.broadcast %or3A_272 : i32 to vector<16xi32>
      %or3A_274 = arith.ori %xor3A_270, %or3A_273 : vector<16xi32>
      %bitcast_convert_type3A_275 = tpu.bitcast %or3A_274 : vector<16xi32> -> vector<16xf32>
      %exp3A_276 = math.exp %bitcast_convert_type3A_275 : vector<16xf32>
      %add3A_277 = arith.constant 1.000000e+00 : f32
      %add3A_278 = vector.broadcast %add3A_277 : f32 to vector<16xf32>
      %add3A_279 = arith.addf %exp3A_276, %add3A_278 : vector<16xf32>
      %add3A_280 = arith.constant 2.000000e+00 : f32
      %add3A_281 = vector.broadcast %add3A_280 : f32 to vector<16xf32>
      %add3A_282 = arith.addf %exp3A_276, %add3A_281 : vector<16xf32>
      %mul3A_283 = arith.mulf %add3A_279, %add3A_282 : vector<16xf32>
      %div3A_284 = arith.constant 1.000000e+00 : f32
      %div3A_285 = vector.broadcast %div3A_284 : f32 to vector<16xf32>
      %div3A_286 = arith.divf %div3A_285, %mul3A_283 : vector<16xf32>
      %mul3A_287 = arith.mulf %div3A_286, %add3A_282 : vector<16xf32>
      %mul3A_288 = arith.mulf %exp3A_276, %add3A_279 : vector<16xf32>
      %mul3A_289 = arith.mulf %mul3A_288, %div3A_286 : vector<16xf32>
      %ge3A_290 = arith.constant 0 : i32
      %ge3A_291 = vector.broadcast %ge3A_290 : i32 to vector<16xi32>
      %ge3A_292 = arith.cmpi sge, %xor3A_270, %ge3A_291 : vector<16xi32>
      %mul3A_293 = arith.mulf %exp3A_276, %mul3A_287 : vector<16xf32>
      %select_n3A_294 = arith.select %ge3A_292, %mul3A_287, %mul3A_293 : vector<16xi1>, vector<16xf32>
      %mul3A_295 = arith.mulf %mul3A_289, %mul3A_289 : vector<16xf32>
      %mul3A_296 = arith.constant 0.285714298 : f32
      %mul3A_297 = vector.broadcast %mul3A_296 : f32 to vector<16xf32>
      %mul3A_298 = arith.mulf %mul3A_295, %mul3A_297 : vector<16xf32>
      %add3A_299 = arith.constant 4.000000e-01 : f32
      %add3A_300 = vector.broadcast %add3A_299 : f32 to vector<16xf32>
      %add3A_301 = arith.addf %add3A_300, %mul3A_298 : vector<16xf32>
      %mul3A_302 = arith.mulf %mul3A_295, %add3A_301 : vector<16xf32>
      %add3A_303 = arith.constant 0.666666686 : f32
      %add3A_304 = vector.broadcast %add3A_303 : f32 to vector<16xf32>
      %add3A_305 = arith.addf %add3A_304, %mul3A_302 : vector<16xf32>
      %mul3A_306 = arith.mulf %mul3A_295, %add3A_305 : vector<16xf32>
      %add3A_307 = arith.constant 2.000000e+00 : f32
      %add3A_308 = vector.broadcast %add3A_307 : f32 to vector<16xf32>
      %add3A_309 = arith.addf %add3A_308, %mul3A_306 : vector<16xf32>
      %mul3A_310 = arith.mulf %mul3A_289, %add3A_309 : vector<16xf32>
      %max3A_311 = arith.constant 0.000000e+00 : f32
      %max3A_312 = vector.broadcast %max3A_311 : f32 to vector<16xf32>
      %max3A_313 = arith.maximumf %bitcast_convert_type3A_271, %max3A_312 : vector<16xf32>
      %add3A_314 = arith.addf %max3A_313, %mul3A_310 : vector<16xf32>
      %min3A_315 = arith.constant 18.420681 : f32
      %min3A_316 = vector.broadcast %min3A_315 : f32 to vector<16xf32>
      %min3A_317 = arith.minimumf %add3A_314, %min3A_316 : vector<16xf32>
      %mul3A_318 = arith.mulf %select_n3A_294, %select_n3A_294 : vector<16xf32>
      %mul3A_319 = arith.mulf %mul3A_318, %min3A_317 : vector<16xf32>
      %add3A_320 = arith.addf %add3A_243, %mul3A_319 : vector<16xf32>
      scf.yield %add3A_320 : vector<16xf32>
    }
    %scan3A_136 = arith.constant 1024 : i32
    %dma_wait3A_137 = arith.constant 0 : i32
    %dma_wait3A_138 = arith.constant 1 : i32
    %dma_wait3A_139 = arith.constant 0 : i32
    %dma_wait3A_140 = arith.constant 0 : i32
    %dma_wait3A_141 = tpu.memref_slice %arg5[%dma_wait3A_138, %dma_wait3A_139, %dma_wait3A_140] : memref<2x32x512xf32, #tpu.memory_space<vmem>> -> memref<1x32x512xf32, #tpu.memory_space<vmem>>
    %dma_wait3A_142 = tpu.memref_squeeze %dma_wait3A_141 : memref<1x32x512xf32, #tpu.memory_space<vmem>> -> memref<32x512xf32, #tpu.memory_space<vmem>>
    %dma_wait3A_143 = arith.constant 0 : i32
    %dma_wait3A_144 = tpu.memref_slice %arg2[%select_n3A, %dma_wait3A_137, %add3A_68, %dma_wait3A_143] : memref<16x1x512x512xf32, #tpu.memory_space<hbm>> -> memref<1x1x32x512xf32, #tpu.memory_space<hbm>>
    %dma_wait3A_145 = tpu.memref_squeeze %dma_wait3A_144 : memref<1x1x32x512xf32, #tpu.memory_space<hbm>> -> memref<32x512xf32, #tpu.memory_space<hbm>>
    %dma_wait3A_146 = arith.constant 0 : i32
    %dma_wait3A_147 = arith.constant 0 : i32
    %dma_wait3A_148 = tpu.memref_slice %arg5[%dma_wait3A_138, %dma_wait3A_146, %dma_wait3A_147] : memref<2x32x512xf32, #tpu.memory_space<vmem>> -> memref<1x32x512xf32, #tpu.memory_space<vmem>>
    %dma_wait3A_149 = tpu.memref_squeeze %dma_wait3A_148 : memref<1x32x512xf32, #tpu.memory_space<vmem>> -> memref<32x512xf32, #tpu.memory_space<vmem>>
    %dma_wait3A_150 = arith.constant 0 : i32
    %dma_wait3A_151 = tpu.memref_slice %arg2[%select_n3A, %dma_wait3A_137, %add3A_68, %dma_wait3A_150] : memref<16x1x512x512xf32, #tpu.memory_space<hbm>> -> memref<1x1x32x512xf32, #tpu.memory_space<hbm>>
    %dma_wait3A_152 = tpu.memref_squeeze %dma_wait3A_151 : memref<1x1x32x512xf32, #tpu.memory_space<hbm>> -> memref<32x512xf32, #tpu.memory_space<hbm>>
    tpu.wait_dma2 semaphore(%arg9 : memref<!tpu.dma_semaphore, #tpu.memory_space<semaphore_mem>>) src(%dma_wait3A_152 : memref<32x512xf32, #tpu.memory_space<hbm>>) dst(%dma_wait3A_149 : memref<32x512xf32, #tpu.memory_space<vmem>>)
    %dma_wait3A_153 = arith.constant 0 : i32
    %dma_wait3A_154 = arith.constant 1 : i32
    %dma_wait3A_155 = arith.constant 0 : i32
    %dma_wait3A_156 = arith.constant 0 : i32
    %dma_wait3A_157 = tpu.memref_slice %arg6[%dma_wait3A_154, %dma_wait3A_155, %dma_wait3A_156] : memref<2x32x512xi32, #tpu.memory_space<vmem>> -> memref<1x32x512xi32, #tpu.memory_space<vmem>>
    %dma_wait3A_158 = tpu.memref_squeeze %dma_wait3A_157 : memref<1x32x512xi32, #tpu.memory_space<vmem>> -> memref<32x512xi32, #tpu.memory_space<vmem>>
    %dma_wait3A_159 = arith.constant 0 : i32
    %dma_wait3A_160 = tpu.memref_slice %arg3[%select_n3A, %dma_wait3A_153, %add3A_68, %dma_wait3A_159] : memref<16x1x512x512xi32, #tpu.memory_space<hbm>> -> memref<1x1x32x512xi32, #tpu.memory_space<hbm>>
    %dma_wait3A_161 = tpu.memref_squeeze %dma_wait3A_160 : memref<1x1x32x512xi32, #tpu.memory_space<hbm>> -> memref<32x512xi32, #tpu.memory_space<hbm>>
    %dma_wait3A_162 = arith.constant 0 : i32
    %dma_wait3A_163 = arith.constant 0 : i32
    %dma_wait3A_164 = tpu.memref_slice %arg6[%dma_wait3A_154, %dma_wait3A_162, %dma_wait3A_163] : memref<2x32x512xi32, #tpu.memory_space<vmem>> -> memref<1x32x512xi32, #tpu.memory_space<vmem>>
    %dma_wait3A_165 = tpu.memref_squeeze %dma_wait3A_164 : memref<1x32x512xi32, #tpu.memory_space<vmem>> -> memref<32x512xi32, #tpu.memory_space<vmem>>
    %dma_wait3A_166 = arith.constant 0 : i32
    %dma_wait3A_167 = tpu.memref_slice %arg3[%select_n3A, %dma_wait3A_153, %add3A_68, %dma_wait3A_166] : memref<16x1x512x512xi32, #tpu.memory_space<hbm>> -> memref<1x1x32x512xi32, #tpu.memory_space<hbm>>
    %dma_wait3A_168 = tpu.memref_squeeze %dma_wait3A_167 : memref<1x1x32x512xi32, #tpu.memory_space<hbm>> -> memref<32x512xi32, #tpu.memory_space<hbm>>
    tpu.wait_dma2 semaphore(%arg9 : memref<!tpu.dma_semaphore, #tpu.memory_space<semaphore_mem>>) src(%dma_wait3A_168 : memref<32x512xi32, #tpu.memory_space<hbm>>) dst(%dma_wait3A_165 : memref<32x512xi32, #tpu.memory_space<vmem>>)
    %scan3A_169 = arith.constant 0 : i32
    %scan3A_170 = arith.constant 1024 : i32
    %scan3A_171 = arith.addi %scan3A_169, %scan3A_170 : i32
    %scan3A_172 = arith.constant 2 : i32
    %scan3A_173 = scf.for %scan3A_178 = %scan3A_169 to %scan3A_171 step %scan3A_172 iter_args(%scan3A_179 = %scan3A_135) -> (vector<16xf32>)  : i32 {
      %shift_right_arithmetic3A = arith.constant 5 : i32
      %shift_right_arithmetic3A_180 = arith.shrsi %scan3A_178, %shift_right_arithmetic3A : i32
      %and3A_181 = arith.constant 31 : i32
      %and3A_182 = arith.andi %scan3A_178, %and3A_181 : i32
      %mul3A_183 = arith.constant 16 : i32
      %mul3A_184 = arith.muli %and3A_182, %mul3A_183 : i32
      %multiple_of3A = tpu.assume_multiple %mul3A_184, 16 : i32
      %get3A = arith.constant 1 : i32
      %get3A_185 = arith.index_cast %get3A : i32 to index
      %get3A_186 = arith.index_cast %shift_right_arithmetic3A_180 : i32 to index
      %get3A_187 = arith.index_cast %multiple_of3A : i32 to index
      %get3A_188 = tpu.vector_load %arg5[%get3A_185, %get3A_186, %get3A_187] {strides = array<i32>} : memref<2x32x512xf32, #tpu.memory_space<vmem>>, vector<1x1x16xf32>,
      %get3A_189 = vector.shape_cast %get3A_188 : vector<1x1x16xf32> to vector<16xf32>
      %multiple_of3A_190 = tpu.assume_multiple %mul3A_184, 16 : i32
      %get3A_191 = arith.constant 1 : i32
      %get3A_192 = arith.index_cast %get3A_191 : i32 to index
      %get3A_193 = arith.index_cast %shift_right_arithmetic3A_180 : i32 to index
      %get3A_194 = arith.index_cast %multiple_of3A_190 : i32 to index
      %get3A_195 = tpu.vector_load %arg6[%get3A_192, %get3A_193, %get3A_194] {strides = array<i32>} : memref<2x32x512xi32, #tpu.memory_space<vmem>>, vector<1x1x16xi32>,
      %get3A_196 = vector.shape_cast %get3A_195 : vector<1x1x16xi32> to vector<16xi32>
      %bitcast_convert_type3A = tpu.bitcast %get3A_189 : vector<16xf32> -> vector<16xi32>
      %shift_left3A = arith.constant 31 : i32
      %shift_left3A_197 = vector.broadcast %shift_left3A : i32 to vector<16xi32>
      %shift_left3A_198 = arith.shli %get3A_196, %shift_left3A_197 : vector<16xi32>
      %xor3A = arith.xori %bitcast_convert_type3A, %shift_left3A_198 : vector<16xi32>
      %bitcast_convert_type3A_199 = tpu.bitcast %xor3A : vector<16xi32> -> vector<16xf32>
      %or3A = arith.constant -2147483648 : i32
      %or3A_200 = vector.broadcast %or3A : i32 to vector<16xi32>
      %or3A_201 = arith.ori %xor3A, %or3A_200 : vector<16xi32>
      %bitcast_convert_type3A_202 = tpu.bitcast %or3A_201 : vector<16xi32> -> vector<16xf32>
      %exp3A = math.exp %bitcast_convert_type3A_202 : vector<16xf32>
      %add3A_203 = arith.constant 1.000000e+00 : f32
      %add3A_204 = vector.broadcast %add3A_203 : f32 to vector<16xf32>
      %add3A_205 = arith.addf %exp3A, %add3A_204 : vector<16xf32>
      %add3A_206 = arith.constant 2.000000e+00 : f32
      %add3A_207 = vector.broadcast %add3A_206 : f32 to vector<16xf32>
      %add3A_208 = arith.addf %exp3A, %add3A_207 : vector<16xf32>
      %mul3A_209 = arith.mulf %add3A_205, %add3A_208 : vector<16xf32>
      %div3A_210 = arith.constant 1.000000e+00 : f32
      %div3A_211 = vector.broadcast %div3A_210 : f32 to vector<16xf32>
      %div3A_212 = arith.divf %div3A_211, %mul3A_209 : vector<16xf32>
      %mul3A_213 = arith.mulf %div3A_212, %add3A_208 : vector<16xf32>
      %mul3A_214 = arith.mulf %exp3A, %add3A_205 : vector<16xf32>
      %mul3A_215 = arith.mulf %mul3A_214, %div3A_212 : vector<16xf32>
      %ge3A = arith.constant 0 : i32
      %ge3A_216 = vector.broadcast %ge3A : i32 to vector<16xi32>
      %ge3A_217 = arith.cmpi sge, %xor3A, %ge3A_216 : vector<16xi32>
      %mul3A_218 = arith.mulf %exp3A, %mul3A_213 : vector<16xf32>
      %select_n3A_219 = arith.select %ge3A_217, %mul3A_213, %mul3A_218 : vector<16xi1>, vector<16xf32>
      %mul3A_220 = arith.mulf %mul3A_215, %mul3A_215 : vector<16xf32>
      %mul3A_221 = arith.constant 0.285714298 : f32
      %mul3A_222 = vector.broadcast %mul3A_221 : f32 to vector<16xf32>
      %mul3A_223 = arith.mulf %mul3A_220, %mul3A_222 : vector<16xf32>
      %add3A_224 = arith.constant 4.000000e-01 : f32
      %add3A_225 = vector.broadcast %add3A_224 : f32 to vector<16xf32>
      %add3A_226 = arith.addf %add3A_225, %mul3A_223 : vector<16xf32>
      %mul3A_227 = arith.mulf %mul3A_220, %add3A_226 : vector<16xf32>
      %add3A_228 = arith.constant 0.666666686 : f32
      %add3A_229 = vector.broadcast %add3A_228 : f32 to vector<16xf32>
      %add3A_230 = arith.addf %add3A_229, %mul3A_227 : vector<16xf32>
      %mul3A_231 = arith.mulf %mul3A_220, %add3A_230 : vector<16xf32>
      %add3A_232 = arith.constant 2.000000e+00 : f32
      %add3A_233 = vector.broadcast %add3A_232 : f32 to vector<16xf32>
      %add3A_234 = arith.addf %add3A_233, %mul3A_231 : vector<16xf32>
      %mul3A_235 = arith.mulf %mul3A_215, %add3A_234 : vector<16xf32>
      %max3A = arith.constant 0.000000e+00 : f32
      %max3A_236 = vector.broadcast %max3A : f32 to vector<16xf32>
      %max3A_237 = arith.maximumf %bitcast_convert_type3A_199, %max3A_236 : vector<16xf32>
      %add3A_238 = arith.addf %max3A_237, %mul3A_235 : vector<16xf32>
      %min3A = arith.constant 18.420681 : f32
      %min3A_239 = vector.broadcast %min3A : f32 to vector<16xf32>
      %min3A_240 = arith.minimumf %add3A_238, %min3A_239 : vector<16xf32>
      %mul3A_241 = arith.mulf %select_n3A_219, %select_n3A_219 : vector<16xf32>
      %mul3A_242 = arith.mulf %mul3A_241, %min3A_240 : vector<16xf32>
      %add3A_243 = arith.addf %scan3A_179, %mul3A_242 : vector<16xf32>
      %scan3A_244 = arith.constant 1 : i32
      %scan3A_245 = arith.addi %scan3A_178, %scan3A_244 : i32
      %shift_right_arithmetic3A_246 = arith.constant 5 : i32
      %shift_right_arithmetic3A_247 = arith.shrsi %scan3A_245, %shift_right_arithmetic3A_246 : i32
      %and3A_248 = arith.constant 31 : i32
      %and3A_249 = arith.andi %scan3A_245, %and3A_248 : i32
      %mul3A_250 = arith.constant 16 : i32
      %mul3A_251 = arith.muli %and3A_249, %mul3A_250 : i32
      %multiple_of3A_252 = tpu.assume_multiple %mul3A_251, 16 : i32
      %get3A_253 = arith.constant 1 : i32
      %get3A_254 = arith.index_cast %get3A_253 : i32 to index
      %get3A_255 = arith.index_cast %shift_right_arithmetic3A_247 : i32 to index
      %get3A_256 = arith.index_cast %multiple_of3A_252 : i32 to index
      %get3A_257 = tpu.vector_load %arg5[%get3A_254, %get3A_255, %get3A_256] {strides = array<i32>} : memref<2x32x512xf32, #tpu.memory_space<vmem>>, vector<1x1x16xf32>,
      %get3A_258 = vector.shape_cast %get3A_257 : vector<1x1x16xf32> to vector<16xf32>
      %multiple_of3A_259 = tpu.assume_multiple %mul3A_251, 16 : i32
      %get3A_260 = arith.constant 1 : i32
      %get3A_261 = arith.index_cast %get3A_260 : i32 to index
      %get3A_262 = arith.index_cast %shift_right_arithmetic3A_247 : i32 to index
      %get3A_263 = arith.index_cast %multiple_of3A_259 : i32 to index
      %get3A_264 = tpu.vector_load %arg6[%get3A_261, %get3A_262, %get3A_263] {strides = array<i32>} : memref<2x32x512xi32, #tpu.memory_space<vmem>>, vector<1x1x16xi32>,
      %get3A_265 = vector.shape_cast %get3A_264 : vector<1x1x16xi32> to vector<16xi32>
      %bitcast_convert_type3A_266 = tpu.bitcast %get3A_258 : vector<16xf32> -> vector<16xi32>
      %shift_left3A_267 = arith.constant 31 : i32
      %shift_left3A_268 = vector.broadcast %shift_left3A_267 : i32 to vector<16xi32>
      %shift_left3A_269 = arith.shli %get3A_265, %shift_left3A_268 : vector<16xi32>
      %xor3A_270 = arith.xori %bitcast_convert_type3A_266, %shift_left3A_269 : vector<16xi32>
      %bitcast_convert_type3A_271 = tpu.bitcast %xor3A_270 : vector<16xi32> -> vector<16xf32>
      %or3A_272 = arith.constant -2147483648 : i32
      %or3A_273 = vector.broadcast %or3A_272 : i32 to vector<16xi32>
      %or3A_274 = arith.ori %xor3A_270, %or3A_273 : vector<16xi32>
      %bitcast_convert_type3A_275 = tpu.bitcast %or3A_274 : vector<16xi32> -> vector<16xf32>
      %exp3A_276 = math.exp %bitcast_convert_type3A_275 : vector<16xf32>
      %add3A_277 = arith.constant 1.000000e+00 : f32
      %add3A_278 = vector.broadcast %add3A_277 : f32 to vector<16xf32>
      %add3A_279 = arith.addf %exp3A_276, %add3A_278 : vector<16xf32>
      %add3A_280 = arith.constant 2.000000e+00 : f32
      %add3A_281 = vector.broadcast %add3A_280 : f32 to vector<16xf32>
      %add3A_282 = arith.addf %exp3A_276, %add3A_281 : vector<16xf32>
      %mul3A_283 = arith.mulf %add3A_279, %add3A_282 : vector<16xf32>
      %div3A_284 = arith.constant 1.000000e+00 : f32
      %div3A_285 = vector.broadcast %div3A_284 : f32 to vector<16xf32>
      %div3A_286 = arith.divf %div3A_285, %mul3A_283 : vector<16xf32>
      %mul3A_287 = arith.mulf %div3A_286, %add3A_282 : vector<16xf32>
      %mul3A_288 = arith.mulf %exp3A_276, %add3A_279 : vector<16xf32>
      %mul3A_289 = arith.mulf %mul3A_288, %div3A_286 : vector<16xf32>
      %ge3A_290 = arith.constant 0 : i32
      %ge3A_291 = vector.broadcast %ge3A_290 : i32 to vector<16xi32>
      %ge3A_292 = arith.cmpi sge, %xor3A_270, %ge3A_291 : vector<16xi32>
      %mul3A_293 = arith.mulf %exp3A_276, %mul3A_287 : vector<16xf32>
      %select_n3A_294 = arith.select %ge3A_292, %mul3A_287, %mul3A_293 : vector<16xi1>, vector<16xf32>
      %mul3A_295 = arith.mulf %mul3A_289, %mul3A_289 : vector<16xf32>
      %mul3A_296 = arith.constant 0.285714298 : f32
      %mul3A_297 = vector.broadcast %mul3A_296 : f32 to vector<16xf32>
      %mul3A_298 = arith.mulf %mul3A_295, %mul3A_297 : vector<16xf32>
      %add3A_299 = arith.constant 4.000000e-01 : f32
      %add3A_300 = vector.broadcast %add3A_299 : f32 to vector<16xf32>
      %add3A_301 = arith.addf %add3A_300, %mul3A_298 : vector<16xf32>
      %mul3A_302 = arith.mulf %mul3A_295, %add3A_301 : vector<16xf32>
      %add3A_303 = arith.constant 0.666666686 : f32
      %add3A_304 = vector.broadcast %add3A_303 : f32 to vector<16xf32>
      %add3A_305 = arith.addf %add3A_304, %mul3A_302 : vector<16xf32>
      %mul3A_306 = arith.mulf %mul3A_295, %add3A_305 : vector<16xf32>
      %add3A_307 = arith.constant 2.000000e+00 : f32
      %add3A_308 = vector.broadcast %add3A_307 : f32 to vector<16xf32>
      %add3A_309 = arith.addf %add3A_308, %mul3A_306 : vector<16xf32>
      %mul3A_310 = arith.mulf %mul3A_289, %add3A_309 : vector<16xf32>
      %max3A_311 = arith.constant 0.000000e+00 : f32
      %max3A_312 = vector.broadcast %max3A_311 : f32 to vector<16xf32>
      %max3A_313 = arith.maximumf %bitcast_convert_type3A_271, %max3A_312 : vector<16xf32>
      %add3A_314 = arith.addf %max3A_313, %mul3A_310 : vector<16xf32>
      %min3A_315 = arith.constant 18.420681 : f32
      %min3A_316 = vector.broadcast %min3A_315 : f32 to vector<16xf32>
      %min3A_317 = arith.minimumf %add3A_314, %min3A_316 : vector<16xf32>
      %mul3A_318 = arith.mulf %select_n3A_294, %select_n3A_294 : vector<16xf32>
      %mul3A_319 = arith.mulf %mul3A_318, %min3A_317 : vector<16xf32>
      %add3A_320 = arith.addf %add3A_243, %mul3A_319 : vector<16xf32>
      scf.yield %add3A_320 : vector<16xf32>
    }
    %scan3A_174 = arith.constant 1024 : i32
    %swap3A = arith.constant 0 : index
    %swap3A_175 = tpu.vector_load %arg7[%swap3A] {strides = array<i32>} : memref<16xf32, #tpu.memory_space<vmem>>, vector<16xf32>,
    %swap3A_176 = vector.shape_cast %swap3A_175 : vector<16xf32> to vector<16xf32>
    %swap3A_177 = vector.shape_cast %scan3A_173 : vector<16xf32> to vector<16xf32>
    tpu.vector_store %arg7[%swap3A], %swap3A_177 {strides = array<i32>} : memref<16xf32, #tpu.memory_space<vmem>>, vector<16xf32>,
    "tpu.region"() ({
      %run_scoped3A = tpu.sem_alloc : memref<!tpu.dma_semaphore, #tpu.memory_space<semaphore_mem>>
      %dma_start3A_178 = arith.constant 0 : i32
      %dma_start3A_179 = tpu.memref_slice %arg4[%add3A, %dma_start3A_178] : memref<32x16xf32, #tpu.memory_space<hbm>> -> memref<1x16xf32, #tpu.memory_space<hbm>>
      %dma_start3A_180 = tpu.memref_squeeze %dma_start3A_179 : memref<1x16xf32, #tpu.memory_space<hbm>> -> memref<16xf32, #tpu.memory_space<hbm>>
      %dma_start3A_181 = arith.constant 0 : i32
      %dma_start3A_182 = tpu.memref_slice %arg4[%add3A, %dma_start3A_181] : memref<32x16xf32, #tpu.memory_space<hbm>> -> memref<1x16xf32, #tpu.memory_space<hbm>>
      %dma_start3A_183 = tpu.memref_squeeze %dma_start3A_182 : memref<1x16xf32, #tpu.memory_space<hbm>> -> memref<16xf32, #tpu.memory_space<hbm>>
      tpu.enqueue_dma source(%arg7 : memref<16xf32, #tpu.memory_space<vmem>>) target(%dma_start3A_183 : memref<16xf32, #tpu.memory_space<hbm>>) target_semaphore(%run_scoped3A : memref<!tpu.dma_semaphore, #tpu.memory_space<semaphore_mem>>)
      %dma_wait3A_184 = arith.constant 0 : i32
      %dma_wait3A_185 = tpu.memref_slice %arg4[%add3A, %dma_wait3A_184] : memref<32x16xf32, #tpu.memory_space<hbm>> -> memref<1x16xf32, #tpu.memory_space<hbm>>
      %dma_wait3A_186 = tpu.memref_squeeze %dma_wait3A_185 : memref<1x16xf32, #tpu.memory_space<hbm>> -> memref<16xf32, #tpu.memory_space<hbm>>
      %dma_wait3A_187 = arith.constant 0 : i32
      %dma_wait3A_188 = tpu.memref_slice %arg4[%add3A, %dma_wait3A_187] : memref<32x16xf32, #tpu.memory_space<hbm>> -> memref<1x16xf32, #tpu.memory_space<hbm>>
      %dma_wait3A_189 = tpu.memref_squeeze %dma_wait3A_188 : memref<1x16xf32, #tpu.memory_space<hbm>> -> memref<16xf32, #tpu.memory_space<hbm>>
      tpu.wait_dma2 semaphore(%run_scoped3A : memref<!tpu.dma_semaphore, #tpu.memory_space<semaphore_mem>>) src(%arg7 : memref<16xf32, #tpu.memory_space<vmem>>) dst(%dma_wait3A_189 : memref<16xf32, #tpu.memory_space<hbm>>)
      tpu.yield
    }) : () -> ()
    return
  }
}

module attributes {stable_mosaic.version = 14 : i64} {
  func.func @_focal_tc_body(%arg0: i32, %arg1: memref<1x1x512x512xf32, #tpu.memory_space<vmem>>, %arg2: memref<1x1x512x512xi32, #tpu.memory_space<vmem>>, %arg3: memref<8x512xf32, #tpu.memory_space<vmem>>) attributes {dimension_semantics = [#tpu.dimension_semantics<arbitrary>], iteration_bounds = array<i64: 12>, scalar_prefetch = 0 : i64, scratch_operands = 0 : i64, tpu.core_type = #tpu.core_type<tc>, window_params = [{transform_indices = @transform_0, window_bounds = array<i64: 1, 1, 512, 512>}, {transform_indices = @transform_1, window_bounds = array<i64: 1, 1, 512, 512>}, {pipeline_mode = #tpu.pipeline_mode<synchronous>, transform_indices = @transform_2, window_bounds = array<i64: 8, 512>}]} {
    %eq3A = arith.constant 0 : i32
    %eq3A_0 = arith.cmpi eq, %arg0, %eq3A : i32
    %convert_element_type3A = arith.extui %eq3A_0 : i1 to i32
    %cond3A = arith.constant 0 : i32
    %cond3A_1 = arith.cmpi ne, %convert_element_type3A, %cond3A : i32
    scf.if %cond3A_1 {
      %broadcast_in_dim3A = arith.constant 0.000000e+00 : f32
      %broadcast_in_dim3A_40 = vector.broadcast %broadcast_in_dim3A : f32 to vector<8x512xf32>
      %swap3A_41 = arith.constant 0 : index
      %swap3A_42 = arith.constant 0 : index
      %swap3A_43 = vector.load %arg3[%swap3A_41, %swap3A_42] : memref<8x512xf32, #tpu.memory_space<vmem>>, vector<8x512xf32>
      tpu.vector_store %arg3[%swap3A_41, %swap3A_42], %broadcast_in_dim3A_40 {strides = array<i32>} : memref<8x512xf32, #tpu.memory_space<vmem>>, vector<8x512xf32>,
    } else {
    }
    %get3A = arith.constant 0 : index
    %get3A_2 = arith.constant 0 : index
    %get3A_3 = arith.constant 0 : index
    %get3A_4 = arith.constant 0 : index
    %get3A_5 = vector.load %arg1[%get3A, %get3A_2, %get3A_3, %get3A_4] : memref<1x1x512x512xf32, #tpu.memory_space<vmem>>, vector<1x1x512x512xf32>
    %reshape3A = vector.shape_cast %get3A_5 : vector<1x1x512x512xf32> to vector<512x512xf32>
    %get3A_6 = arith.constant 0 : index
    %get3A_7 = arith.constant 0 : index
    %get3A_8 = arith.constant 0 : index
    %get3A_9 = arith.constant 0 : index
    %get3A_10 = vector.load %arg2[%get3A_6, %get3A_7, %get3A_8, %get3A_9] : memref<1x1x512x512xi32, #tpu.memory_space<vmem>>, vector<1x1x512x512xi32>
    %reshape3A_11 = vector.shape_cast %get3A_10 : vector<1x1x512x512xi32> to vector<512x512xi32>
    %bitcast_convert_type3A = tpu.bitcast %reshape3A : vector<512x512xf32> -> vector<512x512xi32>
    %shift_left3A = arith.constant 31 : i32
    %shift_left3A_12 = vector.broadcast %shift_left3A : i32 to vector<512x512xi32>
    %shift_left3A_13 = arith.shli %reshape3A_11, %shift_left3A_12 : vector<512x512xi32>
    %xor3A = arith.xori %bitcast_convert_type3A, %shift_left3A_13 : vector<512x512xi32>
    %bitcast_convert_type3A_14 = tpu.bitcast %xor3A : vector<512x512xi32> -> vector<512x512xf32>
    %or3A = arith.constant -2147483648 : i32
    %or3A_15 = vector.broadcast %or3A : i32 to vector<512x512xi32>
    %or3A_16 = arith.ori %xor3A, %or3A_15 : vector<512x512xi32>
    %bitcast_convert_type3A_17 = tpu.bitcast %or3A_16 : vector<512x512xi32> -> vector<512x512xf32>
    %mul3A = arith.constant 5.000000e-01 : f32
    %mul3A_18 = vector.broadcast %mul3A : f32 to vector<512x512xf32>
    %mul3A_19 = arith.mulf %mul3A_18, %bitcast_convert_type3A_14 : vector<512x512xf32>
    %tanh3A = math.tanh %mul3A_19 : vector<512x512xf32>
    %mul3A_20 = arith.constant 5.000000e-01 : f32
    %mul3A_21 = vector.broadcast %mul3A_20 : f32 to vector<512x512xf32>
    %mul3A_22 = arith.mulf %mul3A_21, %tanh3A : vector<512x512xf32>
    %add3A = arith.constant 5.000000e-01 : f32
    %add3A_23 = vector.broadcast %add3A : f32 to vector<512x512xf32>
    %add3A_24 = arith.addf %add3A_23, %mul3A_22 : vector<512x512xf32>
    %max3A = arith.constant 0.000000e+00 : f32
    %max3A_25 = vector.broadcast %max3A : f32 to vector<512x512xf32>
    %max3A_26 = arith.maximumf %bitcast_convert_type3A_14, %max3A_25 : vector<512x512xf32>
    %exp3A = math.exp %bitcast_convert_type3A_17 : vector<512x512xf32>
    %log1p3A = math.log1p %exp3A : vector<512x512xf32>
    %add3A_27 = arith.addf %max3A_26, %log1p3A : vector<512x512xf32>
    %min3A = arith.constant 18.420681 : f32
    %min3A_28 = vector.broadcast %min3A : f32 to vector<512x512xf32>
    %min3A_29 = arith.minimumf %add3A_27, %min3A_28 : vector<512x512xf32>
    %mul3A_30 = arith.mulf %add3A_24, %add3A_24 : vector<512x512xf32>
    %mul3A_31 = arith.mulf %mul3A_30, %min3A_29 : vector<512x512xf32>
    %get3A_32 = arith.constant 0 : index
    %get3A_33 = arith.constant 0 : index
    %get3A_34 = vector.load %arg3[%get3A_32, %get3A_33] : memref<8x512xf32, #tpu.memory_space<vmem>>, vector<8x512xf32>
    %reshape3A_35 = vector.shape_cast %mul3A_31 : vector<512x512xf32> to vector<64x8x512xf32>
    %reduce_sum3A = arith.constant dense<0.000000e+00> : vector<8x512xf32>
    %reduce_sum3A_36 = vector.multi_reduction <add>, %reshape3A_35, %reduce_sum3A [0] : vector<64x8x512xf32> to vector<8x512xf32>
    %add3A_37 = arith.addf %get3A_34, %reduce_sum3A_36 : vector<8x512xf32>
    %swap3A = arith.constant 0 : index
    %swap3A_38 = arith.constant 0 : index
    %swap3A_39 = vector.load %arg3[%swap3A, %swap3A_38] : memref<8x512xf32, #tpu.memory_space<vmem>>, vector<8x512xf32>
    tpu.vector_store %arg3[%swap3A, %swap3A_38], %add3A_37 {strides = array<i32>} : memref<8x512xf32, #tpu.memory_space<vmem>>, vector<8x512xf32>,
    return
  }
  func.func @transform_0(%arg0: i32) -> (i32, i32, i32, i32) {
    %add3A = arith.constant 4 : i32
    %add3A_0 = arith.addi %add3A, %arg0 : i32
    %c0_i32 = arith.constant 0 : i32
    %c0_i32_1 = arith.constant 0 : i32
    %c0_i32_2 = arith.constant 0 : i32
    %c0_i32_3 = arith.constant 0 : i32
    return %add3A_0, %c0_i32, %c0_i32_1, %c0_i32_2 : i32, i32, i32, i32
  }
  func.func @transform_1(%arg0: i32) -> (i32, i32, i32, i32) {
    %add3A = arith.constant 4 : i32
    %add3A_0 = arith.addi %add3A, %arg0 : i32
    %c0_i32 = arith.constant 0 : i32
    %c0_i32_1 = arith.constant 0 : i32
    %c0_i32_2 = arith.constant 0 : i32
    %c0_i32_3 = arith.constant 0 : i32
    return %add3A_0, %c0_i32, %c0_i32_1, %c0_i32_2 : i32, i32, i32, i32
  }
  func.func @transform_2(%arg0: i32) -> (i32, i32) {
    %c0_i32 = arith.constant 0 : i32
    %c0_i32_0 = arith.constant 0 : i32
    %c0_i32_1 = arith.constant 0 : i32
    return %c0_i32, %c0_i32_0 : i32, i32
  }
}

</mosaic_0001>

<sc_bundles>
// kernel: kernel.4.cloned.1.call-start
scs
__scs_entry_jumppad:
0x0: {  	(pc) =	sbr.rel $0x88, $3  }
0x1: {  	(tag) =	ssettag $0x0;
	lr =	simm.s32 $0x1  }
0x2: {  	[smem:$0x3F9F] =	sst lr;
	_ =	strace $0xD0000000  }
0x3: {  	_ = 	snop  }
0x4: {  	_ = 	snop  }
0x5: {  	_ = 	snop  }
0x6: {  	_ = 	snop  }
0x7: {  	_ = 	snop  }
__scs_overlays_trampoline_lowered:
0x8: {  	[smem:$0x3FAE] =	sst s0  }
0x9: {  	[smem:$0x3FAF] =	sst s1  }
0xa: {  	[smem:$0x3FB0] =	sst s2  }
0xb: {  	[smem:$0x3FB1] =	sst s3  }
0xc: {  	[smem:$0x3FB2] =	sst s4  }
0xd: {  	[smem:$0x3FB3] =	sst s5  }
0xe: {  	[smem:$0x3FB4] =	sst s6  }
0xf: {  	[smem:$0x3FB5] =	sst s7  }
0x10: {  	[smem:$0x3FB6] =	sst s8  }
0x11: {  	[smem:$0x3FB7] =	sst s9;
	s0 =	simm.s32 @!p0 $0x0  }
0x12: {  	s1 =	sld [smem:$0x3F9D];
	s0 =	simm.s32 @p0 $0x1  }
0x13: {  	[smem:$0x3FB8] =	sst s0;
	s0 =	simm.s32 @!p1 $0x0  }
0x14: {  	s2 =	sld [smem:$0x3F9C];
	s0 =	simm.s32 @p1 $0x1  }
0x15: {  	[smem:$0x3FB9] =	sst s0;
	s0 =	simm.s32 @!p2 $0x0  }
0x16: {  	s3 =	sld [smem:$0x3FDB];
	s0 =	simm.s32 @p2 $0x1  }
0x17: {  	s4 =	simm.s32 $0x1BF5;
	[smem:$0x3FBB] =	sst s0  }
0x18: {  	s0 =	sld [smem:$0x3F9E];
	_ =	swait.ge [sflag:s4], $0x0  }
0x19: {  	s7 =	sld [smem:$0x3F9F]  }
0x1a: {  	s8 =	sadd.s32 $0xFFFFE003, lr  }
0x1b: {  	s9 =	sadd.s32 $0xFFFFFEF7, lr;
	s5 =	simm.s32 $0xFFFFFFFF;
	p2 =	slt.u32 s8, $0xFFFFF086  }
0x1c: {  	p1 =	slt.u32 s9, $0xF7A;
	s5 =	simm.s32 @!p2 $0x0  }
0x1d: {  	s5 =	simm.s32 @p1 $0x1;
	p0 =	seq.s32 s7, s2  }
0x1e: {  	s7 =	smul.u32 @!p0 $0xF7A, s2;
	p2 =	seq.s32 @!p0 s5, $0x0  }
0x1f: {  	s9 =	smul.u32 $0xF7A, s1;
	s8 =	simm.s32 @!p0 $0x1BF5;
	p2 =	por !p2, p0  }
0x20: {  	[sflag:s8] =	ssyncset.s32 @!p0 $0xFFFFF086;
	s6 =	sadd.s32 @!p0 s3, s7;
	s7 =	simm.s32 @!p0 $0x108  }
0x21: {  	s3 =	sadd.s32 s3, s9;
	s6 =	sadd.s32 @!p0 $0x88, s6;
	s7 =	simm.s32 @p2 $0x1082  }
0x22: {  	[simem:s7], [sflag:s8] =	dma.local @!p0 [hbm:s6], $0xF7A  }
0x23: {  	s9 =	sor.u32 $0xD0000000, s2;
	s6 =	simm.s32 $0x108;
	_ =	swait.ge @!p0 [sflag:s8], $0x0  }
0x24: {  	s3 =	sadd.s32 $0x88, s3;
	s6 =	simm.s32 @!p1 $0x1082;
	[sflag:s4] =	ssyncset.s32 $0xFFFFF086  }
0x25: {  	[simem:s6], [sflag:s4] =	dma.local [hbm:s3], $0xF7A  }
0x26: {  	[smem:$0x3F9F] =	sst s1;
	(tag) =	ssettag s2;
	_ =	strace s9  }
0x27: {  	s1 =	sld [smem:$0x3FAF]  }
0x28: {  	s2 =	sld [smem:$0x3FB0]  }
0x29: {  	s4 =	sld [smem:$0x3FB2]  }
0x2a: {  	p0 =	seq.s32 s5, $0x0;
	s5 =	sld [smem:$0x3FB3]  }
0x2b: {  	s6 =	sld [smem:$0x3FB4]  }
0x2c: {  	s7 =	sld [smem:$0x3FB5]  }
0x2d: {  	s3 =	simm.s32 $0x108;
	s8 =	sld [smem:$0x3FB6]  }
0x2e: {  	s3 =	simm.s32 @!p0 $0x1082;
	s9 =	sld [smem:$0x3FB7]  }
0x2f: {  	lr =	sadd.s32 s0, s3;
	s0 =	sld [smem:$0x3FAE]  }
0x30: {  	s3 =	sld [smem:$0x3FB1]  }
0x31: {  	[smem:$0x3FBA] =	sst s10  }
0x32: {  	s10 =	sld [smem:$0x3FB8];
	_ =	sdelay $0x3  }
0x33: {  	p0 =	seq.s32 s10, $0x1;
	s10 =	sld [smem:$0x3FBA];
	_ =	sdelay $0x3  }
0x34: {  	[smem:$0x3FBA] =	sst s10  }
0x35: {  	s10 =	sld [smem:$0x3FB9];
	_ =	sdelay $0x3  }
0x36: {  	p1 =	seq.s32 s10, $0x1;
	s10 =	sld [smem:$0x3FBA];
	_ =	sdelay $0x3  }
0x37: {  	[smem:$0x3FBA] =	sst s10  }
0x38: {  	s10 =	sld [smem:$0x3FBB]  }
0x39: {  	_ = 	snop;
	(pc) =	sbr.ind lr, $3  }
0x3a: {  	_ = 	snop  }
0x3b: {  	_ = 	snop  }
0x3c: {  	p2 =	seq.s32 s10, $0x1;
	s10 =	sld [smem:$0x3FBA]  }
0x3d: {  	_ =	shalt  }
0x3e: {  	_ =	shalt  }
0x3f: {  	_ =	shalt  }
0x40: {  	_ =	shalt  }
0x41: {  	_ =	shalt  }
0x42: {  	_ =	shalt  }
0x43: {  	_ =	shalt  }
0x44: {  	_ =	shalt  }
0x45: {  	_ =	shalt  }
0x46: {  	_ =	shalt  }
0x47: {  	_ =	shalt  }
0x48: {  	_ =	shalt  }
0x49: {  	_ =	shalt  }
0x4a: {  	_ =	shalt  }
0x4b: {  	_ =	shalt  }
0x4c: {  	_ =	shalt  }
0x4d: {  	_ =	shalt  }
0x4e: {  	_ =	shalt  }
0x4f: {  	_ =	shalt  }
0x50: {  	_ =	shalt  }
0x51: {  	_ =	shalt  }
0x52: {  	_ =	shalt  }
0x53: {  	_ =	shalt  }
0x54: {  	_ =	shalt  }
0x55: {  	_ =	shalt  }
0x56: {  	_ =	shalt  }
0x57: {  	_ =	shalt  }
0x58: {  	_ =	shalt  }
0x59: {  	_ =	shalt  }
0x5a: {  	_ =	shalt  }
0x5b: {  	_ =	shalt  }
0x5c: {  	_ =	shalt  }
0x5d: {  	_ =	shalt  }
0x5e: {  	_ =	shalt  }
0x5f: {  	_ =	shalt  }
0x60: {  	_ =	shalt  }
0x61: {  	_ =	shalt  }
0x62: {  	_ =	shalt  }
0x63: {  	_ =	shalt  }
0x64: {  	_ =	shalt  }
0x65: {  	_ =	shalt  }
0x66: {  	_ =	shalt  }
0x67: {  	_ =	shalt  }
0x68: {  	_ =	shalt  }
0x69: {  	_ =	shalt  }
0x6a: {  	_ =	shalt  }
0x6b: {  	_ =	shalt  }
0x6c: {  	_ =	shalt  }
0x6d: {  	_ =	shalt  }
0x6e: {  	_ =	shalt  }
0x6f: {  	_ =	shalt  }
0x70: {  	_ =	shalt  }
0x71: {  	_ =	shalt  }
0x72: {  	_ =	shalt  }
0x73: {  	_ =	shalt  }
0x74: {  	_ =	shalt  }
0x75: {  	_ =	shalt  }
0x76: {  	_ =	shalt  }
0x77: {  	_ =	shalt  }
0x78: {  	_ =	shalt  }
0x79: {  	_ =	shalt  }
0x7a: {  	_ =	shalt  }
0x7b: {  	_ =	shalt  }
0x7c: {  	_ =	shalt  }
0x7d: {  	_ =	shalt  }
0x7e: {  	_ =	shalt  }
0x7f: {  	_ =	shalt  }
0x80: {  	_ =	shalt  }
0x81: {  	_ =	shalt  }
0x82: {  	_ =	shalt  }
0x83: {  	_ =	shalt  }
0x84: {  	_ =	shalt  }
0x85: {  	_ =	shalt  }
0x86: {  	_ =	shalt  }
0x87: {  	_ =	shalt  }
.Lfunc_end0:
.L_simem_size_0:
called_computation_lowered:
.L_overlay_start_0:
0x88: {  	s2 =	sld [smem:$0x3FD9]  }
0x89: {  	s3 =	sld [smem:$0x3FFE];
	_ =	sdelay $0x1  }
0x8a: {  	s1 =	srdreg.scid  }
0x8b: {  	s0 =	sand.u32 $0x1, s1  }
0x8c: {  	s17 =	sshll.u32 s0, $0xA;
	s2 =	sadd.s32 s3, s2  }
0x8d: {  	s2 =	sadd.s32 s2, s17  }
0x8e: {  	[smem:$0x3FC6] =	sst s2  }
0x8f: {  	_ = 	snop  }
0x90: {  	s2 =	sld [smem:$0x3FC9]  }
0x91: {  	s18 =	sld [smem:$0x3FC8];
	(tm) =	ssettm $0x1  }
0x92: {  	s4 =	sld [smem:$0x3FFB];
	_ =	sdelay $0x3  }
0x93: {  	_ =	strace s4  }
0x94: {  	s4 =	sld [smem:$0x3FFC];
	_ =	sdelay $0x3  }
0x95: {  	_ =	strace s4  }
0x96: {  	s4 =	sld [smem:$0x3FFD];
	_ =	sdelay $0x3  }
0x97: {  	_ =	strace s4  }
0x98: {  	_ =	strace $0x8FFFFFFF  }
0x99: {  	s19 =	sld [smem:$0x3FDB];
	_ =	sdelay $0x1  }
0x9a: {  	s5 =	simm.s32 $_scs_section_size  }
0x9b: {  	s6 =	simm.s32 $_size__tile_overlayer_lowered;
	s7 =	simm.s32 $_tile_overlayer_lowered  }
0x9c: {  	s22 =	simm.s32 $0x1BFF;
	s21 =	sshll.u32 s7, $0x1;
	s4 =	sadd.s32 s5, s19  }
0x9d: {  	s8 =	simm.s32 $0x0;
	s20 =	sshll.u32 s6, $0x1;
	s6 =	sadd.s32 s21, s4  }
0x9e: {  	[timem:s8], [sflag:s22] =	dma.local [hbm:s6], s20  }
0x9f: {  	_ =	swait.ge [sflag:s22], s20  }
0xa0: {  	s5 =	ssub.s32 $0x0, s20;
	[sflag:s22] =	ssyncset.done $0x0  }
0xa1: {  	[sflag:s22] =	ssyncadd.s32 s5;
	_ =	sdelay $0x1  }
0xa2: {  	s23 =	simm.s32 $0x1B8B  }
0xa3: {  	_ =	swait.ge [sflag:s23], $0x1  }
0xa4: {  	[sflag:s23] =	ssyncset.done $0x0  }
0xa5: {  	s25 =	simm.s32 $0x1B8E;
	s24 =	sld [smem:$0x3FFE];
	[sflag:s23] =	ssyncadd.s32 $0xFFFFFFFF  }
0xa6: {  	s26 =	simm.s32 $execute0_lowered;
	[smem:$0x3FD2] =	sst s25  }
0xa7: {  	s6 =	sshll.u32 s26, $0x1;
	_ =	strace $0x80000046;
	[dreg:$0x1] =	wrdreg $0xFFFFFFFF  }
0xa8: {  	s28 =	simm.s32 $_size_execute0_lowered;
	s4 =	sadd.s32 s4, s6;
	[dreg:$0x0] =	wrdreg $0x0  }
0xa9: {  	s6 =	sshll.u32 s28, $0x1;
	[dreg:$0x2] =	wrdreg s4  }
0xaa: {  	[dreg:$0x3] =	wrdreg s6  }
0xab: {  	[dreg:$0x4] =	wrdreg $0xC0  }
0xac: {  	_ =	task [dreg:s8], $0x5FFFF  }
0xad: {  	[dreg:$0x1] =	wrdreg $0xFFFFFFFF  }
0xae: {  	[dreg:$0x0] =	wrdreg $0x60  }
0xaf: {  	[dreg:$0x2] =	wrdreg s2  }
0xb0: {  	[dreg:$0x3] =	wrdreg s18  }
0xb1: {  	[dreg:$0x4] =	wrdreg s24  }
0xb2: {  	[dreg:$0x5] =	wrdreg $0x9  }
0xb3: {  	_ =	task.clear_ibuf [dreg:s8], $0x6FFFF;
	_ =	strace $0x90000046  }
0xb4: {  	s29 =	simm.s32 $0x9;
	_ =	strace $0x80000048  }
0xb5: {  	_ =	swait.ge [sflag:s29], $0x1  }
0xb6: {  	[sflag:s29] =	ssyncadd.s32 $0xFFFFFFFF  }
0xb7: {  	_ =	strace $0x90000048  }
0xb8: {  	_ =	sfence  }
0xb9: {  	s30 =	sld [smem:$0x0];
	_ =	sdelay $0x2  }
0xba: {  	s31 =	sshll.u32 s1, $0xD;
	s1 =	sshrl.u32 s1, $0x2  }
0xbb: {  	s3 =	sand.u32 $0x4000, s31;
	s1 =	sadd.s32 s1, s30  }
0xbc: {  	s0 =	sor.u32 s3, s0;
	s1 =	sshll.u32 s1, $0x11  }
0xbd: {  	s0 =	sor.u32 s1, s0  }
0xbe: {  	s0 =	sadd.s32 $0x8F2B, s0  }
0xbf: {  	[sflag:s0] =	ssyncadd.remote.s32 $0x1  }
0xc0: {  	_ =	sfence.sel $0xFFFF  }
0xc1: {  	[dreg:$0x0] =	wrdreg $0xFFFFFFFF;
	(pc) =	sbr.abs _section_cstart, $3  }
0xc2: {  	[dreg:$0x1] =	wrdreg $0xFFFFFFFF  }
0xc3: {  	_ =	task.clear_ibuf [dreg:s8], $0x2FFFF;
	_ =	strace $0x9FFFFFFF  }
0xc4: {  	(tm) =	ssettm $0x7FFFFFFF  }
0xc5: {  	_ =	shalt  }
tec
execute0_lowered:
.L_overlay_start_1:
0x0: {  	(tag) =	ssettag $0x1  }
0x1: {  	s5 =	rddreg [dreg:$0x0]  }
0x2: {  	s6 =	rddreg [dreg:$0x1];
	s1 =	srdreg.scid  }
0x3: {  	s0 =	stileid.u32;
	s7 =	rddreg [dreg:$0x2];
	s11 =	simm.s32 $0xC000  }
0x4: {  	s12 =	simm.s32 $0x1;
	s13 =	simm.s32 $0x2;
	s14 =	simm.s32 $0x10000  }
0x5: {  	s15 =	simm.s32 $0x3;
	s16 =	simm.s32 $0x0;
	s3 =	sand.u32 $0x1, s1  }
0x6: {  	s2 =	sshll.u32 s0, $0x1;
	s1 =	rddreg [dreg:$0x3];
	s9 =	sshll.u32 s0, $0xD  }
0x7: {  	s8 =	sor.u32 s3, s2;
	s2 =	simm.s32 $0x0;
	s3 =	ssub.s32 $0x2, s3  }
0x8: {  	s9 =	sand.u32 $0x18000, s9;
	s4 =	sshll.u32 s8, $0xC;
	[smem:$0x7FF] =	sst s2  }
0x9: {  	s10 =	sshrl.u32 s3, $0x1;
	s8 =	sshll.u32 s8, $0x4;
	s4 =	sand.u32 $0x7000, s4  }
0xa: {  	_ =	strace $0x80000047;
	s10 =	ssub.s32 s3, s10;
	s7 =	sadd.s32 s7, s8  }
0xb: {  	s9 =	sor.u32 s9, s4;
	s8 =	smax.u32 s10, $0x1;
	s10 =	simm.s32 $0x4000  }
0xc: {  	s3 =	sadd.s32 s5, s9;
	s4 =	sadd.s32 s6, s9;
	s9 =	sor.u32 $0x800, s9  }
0xd: {  	s5 =	sadd.s32 s5, s9;
	s6 =	sadd.s32 s6, s9;
	s9 =	simm.s32 $0x8000  }
.LBB2_1:
0xe: {  	[tilespmem:s2], [sflag:$0x1] =	stream.linear.gather [hbm4b:s3+s2], $0x4000, $0x38;
	[tilespmem:$0x10080] =	vst v63  }
0xf: {  	_ = 	snop  }
0x10: {  	[tilespmem:s9], [sflag:$0x1] =	stream.linear.gather [hbm4b:s4+s2], $0x4000, $0x38;
	[tilespmem:$0x10080] =	vst v63  }
0x11: {  	_ = 	snop  }
0x12: {  	[tilespmem:s10], [sflag:$0x2] =	stream.linear.gather [hbm4b:s5+s2], $0x4000, $0x38;
	[tilespmem:$0x10080] =	vst v63  }
0x13: {  	_ = 	snop  }
0x14: {  	[tilespmem:s11], [sflag:$0x2] =	stream.linear.gather [hbm4b:s6+s2], $0x4000, $0x38;
	[tilespmem:$0x10080] =	vst v63  }
0x15: {  	_ =	swait.ge [sflag:s12], $0x4000  }
0x16: {  	s17 =	simm.s32 $0x0;
	s18 =	sand.u32 $0xC00, s2;
	[sflag:s12] =	ssyncset.done $0x0  }
0x17: {  	s19 =	simm.s32 $0x0;
	s17 =	sand.u32 $0x3000, s17;
	[sflag:s12] =	ssyncadd.s32 $0xFFFFC000  }
0x18: {  	s23 =	sand.u32 $0x380, s19;
	s17 =	sor.u32 s18, s17;
	_ =	swait.ge [sflag:s12], $0x4000  }
0x19: {  	s24 =	sand.u32 $0x60, s2;
	s17 =	sor.u32 s23, s17;
	[sflag:s12] =	ssyncset.done $0x0  }
0x1a: {  	s21 =	sor.u32 s24, s17;
	[sflag:s12] =	ssyncadd.s32 $0xFFFFC000  }
0x1b: {  	v13 =	vld [tilespmem:s21+$0x10]  }
0x1c: {  	v14 =	vld [tilespmem:s21+$0x0];
	_ =	sdelay $0x3  }
0x1d: {  	v0 =	vor.u32 $0x80000000, v13  }
0x1e: {  	v1 =	vor.u32 $0x80000000, v14;
	v0 =	vmul.f32 $1.442695020e+00, v0  }
0x1f: {  	v1 =	vmul.f32 $1.442695020e+00, v1  }
0x20: {  	(erf) = vpow2.f32 v0  }
0x21: {  	(erf) = vpow2.f32 v1  }
0x22: {  	s25 =	simm.s32 $0x20;
	s26 =	simm.s32 $0x100  }
0x23: {  	s28 =	simm.s32 $0x8;
	s18 =	sand.u32 $0xC00, s26;
	s17 =	sand.u32 $0x3000, s25  }
0x24: {  	s30 =	simm.s32 $0x20;
	s29 =	sand.u32 $0x380, s28;
	s17 =	sor.u32 s18, s17  }
0x25: {  	s19 =	sand.u32 $0x60, s30;
	s17 =	sor.u32 s29, s17  }
0x26: {  	s17 =	sor.u32 s19, s17  }
0x27: {  	v2 =	vld [tilespmem:s17+$0x10];
	_ =	sdelay $0x1  }
0x28: {  	v5 =	vpop (erf)  }
0x29: {  	v8 =	vpop (erf)  }
0x2a: {  	v0 =	vadd.f32 $1.000000000e+00, v8;
	v15 =	vadd.f32 $2.000000000e+00, v8  }
0x2b: {  	v3 =	vld [tilespmem:s17+$0x0];
	v1 =	vor.u32 $0x80000000, v2  }
0x2c: {  	v6 =	vadd.f32 $1.000000000e+00, v5;
	v16 =	vadd.f32 $2.000000000e+00, v5;
	v4 =	vmul.f32 v15, v0  }
0x2d: {  	v1 =	vmul.f32 $1.442695020e+00, v1  }
0x2e: {  	(erf) = vrcp.f32 v4;
	v4 =	vmul.f32 v16, v6  }
0x2f: {  	(erf) = vpow2.f32 v1  }
0x30: {  	v1 =	vor.u32 $0x80000000, v3;
	(erf) = vrcp.f32 v4  }
0x31: {  	v1 =	vmul.f32 $1.442695020e+00, v1;
	_ =	sdelay $0x1  }
0x32: {  	(erf) = vpow2.f32 v1;
	_ =	sdelay $0x1  }
0x33: {  	s31 =	simm.s32 $0x40;
	s19 =	simm.s32 $0x200  }
0x34: {  	s22 =	simm.s32 $0x10;
	s18 =	sand.u32 $0x3000, s31;
	s20 =	sand.u32 $0xC00, s19;
	v0 =	vmul.f32 v0, v8  }
0x35: {  	s22 =	sand.u32 $0x380, s22;
	s18 =	sor.u32 s20, s18;
	s20 =	simm.s32 $0x40;
	v19 =	vpop (erf)  }
0x36: {  	s23 =	sand.u32 $0x60, s20;
	s18 =	sor.u32 s22, s18;
	v7 =	vld [tilespmem:s21+$0x8010];
	v6 =	vmul.f32 v6, v5;
	v11 =	vmul.f32 v19, v0;
	v4 =	vpop (erf)  }
0x37: {  	s18 =	sor.u32 s23, s18;
	v18 =	vld [tilespmem:s21+$0x8000];
	v20 =	vpop (erf)  }
0x38: {  	v1 =	vld [tilespmem:s18+$0x10];
	v21 =	vmul.f32 v11, v11;
	v12 =	vmul.f32 v20, v6;
	_ =	sdelay $0x1  }
0x39: {  	v9 =	vimm.f32 $0.0e+00;
	v0 =	vld [tilespmem:s18+$0x0];
	v10 =	vpop (erf);
	v22 =	vmul.f32 $2.857142980e-01, v21;
	v24 =	vmul.f32 v12, v12  }
0x3a: {  	v23 =	vshll.u32 v7, $0x1F;
	v17 =	vadd.f32 $1.000000000e+00, v10;
	v6 =	vadd.f32 $2.000000000e+00, v10  }
0x3b: {  	v25 =	vshll.u32 v18, $0x1F;
	v18 =	vadd.f32 $4.000000060e-01, v22;
	v22 =	vmul.f32 $2.857142980e-01, v24  }
0x3c: {  	v26 =	vor.u32 $0x80000000, v1;
	v28 =	vadd.f32 $1.000000000e+00, v4;
	v27 =	vmul.f32 v6, v17  }
0x3d: {  	v7 =	vadd.f32 $2.000000000e+00, v4;
	v18 =	vmul.f32 v18, v21;
	v22 =	vadd.f32 $4.000000060e-01, v22  }
0x3e: {  	v26 =	vmul.f32 $1.442695020e+00, v26;
	v29 =	vor.u32 $0x80000000, v0;
	(erf) = vrcp.f32 v27  }
0x3f: {  	v27 =	vmul.f32 v7, v28;
	v30 =	vadd.f32 $6.666666860e-01, v18;
	v22 =	vmul.f32 v22, v24  }
0x40: {  	v29 =	vmul.f32 $1.442695020e+00, v29;
	(erf) = vpow2.f32 v26;
	v18 =	vxor.u32 v13, v23  }
0x41: {  	(erf) = vrcp.f32 v27;
	v13 =	vmul.f32 v30, v21;
	v26 =	vadd.f32 $6.666666860e-01, v22  }
0x42: {  	v20 =	vmul.f32 v20, v16;
	(erf) = vpow2.f32 v29;
	v22 =	vxor.u32 v14, v25  }
0x43: {  	v21 =	vmul.f32 v19, v15;
	v23 =	vadd.f32 $2.000000000e+00, v13;
	v24 =	vmul.f32 v26, v24  }
0x44: {  	s21 =	simm.s32 $0x4;
	vm0 =	vlt.s32 v18, $0x0;
	v19 =	vmul.f32 v28, v4;
	vm1 =	vlt.s32 v22, $0x0  }
.LBB2_2:
0x45: {  	s21 =	sadd.s32 $0x2, s21;
	v13 =	vmul.f32 v21, v8;
	v11 =	vmul.f32 v23, v11;
	v14 =	vadd.f32 $2.000000000e+00, v24;
	v8 =	vmovc v10  }
0x46: {  	s19 =	sadd.s32 $0x100, s19;
	v15 =	vmax.f32 v22, $0.0e+00;
	s22 =	sshll.u32 s21, $0x4;
	v10 =	vmul.f32 v17, v8;
	v16 =	vmul.f32 v20, v5;
	v5 =	vmovc v4  }
0x47: {  	s23 =	sand.u32 $0xC00, s19;
	s24 =	sshll.u32 s21, $0x2;
	s22 =	sand.u32 $0x3000, s22;
	v23 =	vpop (erf);
	v17 =	vsel vm1, v13, v21;
	v13 =	vadd.f32 v11, v15;
	v12 =	vmul.f32 v14, v12  }
0x48: {  	s20 =	sadd.s32 $0x20, s20;
	v14 =	vmax.f32 v18, $0.0e+00;
	s22 =	sor.u32 s23, s22;
	s23 =	sand.u32 $0x380, s24;
	v11 =	vmul.f32 v23, v10;
	v17 =	vmul.f32 v17, v17  }
0x49: {  	s24 =	sand.u32 $0x60, s20;
	v16 =	vsel vm0, v16, v20;
	s22 =	sor.u32 s23, s22;
	v4 =	vpop (erf);
	v15 =	vld [tilespmem:s17+$0x8010];
	v13 =	vmin.f32 v13, $1.842068100e+01;
	v14 =	vadd.f32 v12, v14  }
0x4a: {  	v16 =	vmul.f32 v16, v16;
	v18 =	vld [tilespmem:s17+$0x8000];
	v20 =	vpop (erf);
	v13 =	vmul.f32 v13, v17;
	s17 =	smov.u32 s18;
	s18 =	sor.u32 s24, s22  }
0x4b: {  	p0 =	slt.u32 s21, $0x3FE;
	v22 =	vmul.f32 v11, v11;
	v21 =	vld [tilespmem:s18+$0x10];
	v10 =	vpop (erf);
	v12 =	vmul.f32 v20, v19;
	v14 =	vmin.f32 v14, $1.842068100e+01  }
0x4c: {  	v9 =	vadd.f32 v13, v9;
	v13 =	vmul.f32 v14, v16  }
0x4d: {  	v17 =	vadd.f32 $1.000000000e+00, v10;
	v16 =	vmul.f32 $2.857142980e-01, v22;
	v14 =	vld [tilespmem:s18+$0x0];
	v19 =	vmul.f32 v12, v12  }
0x4e: {  	v25 =	vadd.f32 $2.000000000e+00, v10;
	v15 =	vshll.u32 v15, $0x1F;
	v9 =	vadd.f32 v13, v9  }
0x4f: {  	v16 =	vadd.f32 $4.000000060e-01, v16;
	v13 =	vshll.u32 v18, $0x1F;
	v18 =	vmul.f32 $2.857142980e-01, v19  }
0x50: {  	v27 =	vadd.f32 $1.000000000e+00, v4;
	v26 =	vmul.f32 v25, v17;
	v24 =	vor.u32 $0x80000000, v21  }
0x51: {  	v28 =	vadd.f32 $2.000000000e+00, v4;
	v16 =	vmul.f32 v16, v22;
	v18 =	vadd.f32 $4.000000060e-01, v18  }
0x52: {  	v24 =	vmul.f32 $1.442695020e+00, v24;
	v29 =	vor.u32 $0x80000000, v14;
	(erf) = vrcp.f32 v26  }
0x53: {  	v26 =	vmul.f32 v28, v27;
	v16 =	vadd.f32 $6.666666860e-01, v16;
	v30 =	vmul.f32 v18, v19  }
.Ltmp0:
0x54: {  	v29 =	vmul.f32 $1.442695020e+00, v29;
	v18 =	vxor.u32 v2, v15;
	v2 =	vmovc v1;
	v1 =	vmovc v21;
	(erf) = vpow2.f32 v24;
	(pc) =	sbr.rel @p0 .LBB2_2-.Ltmp0, $4  }
0x55: {  	v15 =	vmul.f32 v16, v22;
	(erf) = vrcp.f32 v26;
	v16 =	vadd.f32 $6.666666860e-01, v30  }
0x56: {  	v22 =	vxor.u32 v3, v13;
	vm0 =	vlt.s32 v18, $0x0;
	v3 =	vmovc v0;
	v0 =	vmovc v14;
	(erf) = vpow2.f32 v29  }
0x57: {  	v21 =	vmul.f32 v23, v6;
	v6 =	vmovc v25;
	v23 =	vadd.f32 $2.000000000e+00, v15;
	v24 =	vmul.f32 v16, v19  }
0x58: {  	v20 =	vmul.f32 v20, v7;
	v7 =	vmovc v28;
	vm1 =	vlt.s32 v22, $0x0;
	v19 =	vmul.f32 v27, v4  }
0x59: {  	_ =	sdelay $0x2  }
0x5a: {  	v25 =	vpop (erf)  }
0x5b: {  	v13 =	vpop (erf)  }
0x5c: {  	v26 =	vpop (erf)  }
0x5d: {  	v14 =	vpop (erf)  }
0x5e: {  	v27 =	vadd.f32 $1.000000000e+00, v14;
	v16 =	vadd.f32 $2.000000000e+00, v14  }
0x5f: {  	v28 =	vadd.f32 $1.000000000e+00, v13;
	v15 =	vadd.f32 $2.000000000e+00, v13  }
0x60: {  	v29 =	vmul.f32 v16, v27  }
0x61: {  	v30 =	vmul.f32 v15, v28  }
0x62: {  	(erf) = vrcp.f32 v29  }
0x63: {  	(erf) = vrcp.f32 v30  }
0x64: {  	v17 =	vmul.f32 v17, v10;
	_ =	sdelay $0x1  }
0x65: {  	v43 =	vmul.f32 v25, v17  }
0x66: {  	v8 =	vmul.f32 v21, v8  }
0x67: {  	v11 =	vmul.f32 v23, v11;
	v34 =	vmul.f32 v43, v43  }
0x68: {  	v44 =	vadd.f32 $2.000000000e+00, v24;
	v22 =	vmax.f32 v22, $0.0e+00;
	v19 =	vmul.f32 v26, v19  }
0x69: {  	v42 =	vld [tilespmem:s17+$0x8010];
	v18 =	vmax.f32 v18, $0.0e+00;
	v5 =	vmul.f32 v20, v5;
	v45 =	vmul.f32 $2.857142980e-01, v34  }
0x6a: {  	v31 =	vld [tilespmem:s17+$0x8000];
	v8 =	vsel vm1, v8, v21;
	v11 =	vadd.f32 v11, v22;
	v36 =	vmul.f32 v19, v19;
	v32 =	vpop (erf)  }
0x6b: {  	v33 =	vld [tilespmem:s18+$0x8010];
	v12 =	vmul.f32 v44, v12;
	v8 =	vmul.f32 v8, v8;
	v46 =	vadd.f32 $4.000000060e-01, v45;
	v17 =	vpop (erf)  }
0x6c: {  	v35 =	vld [tilespmem:s18+$0x8000];
	s21 =	simm.s32 $0x0;
	v5 =	vsel vm0, v5, v20;
	v6 =	vmul.f32 v25, v6;
	v20 =	vmul.f32 $2.857142980e-01, v36;
	_ =	swait.ge [sflag:s13], $0x4000  }
0x6d: {  	s19 =	simm.s32 $0x0;
	s20 =	simm.s32 $0x0;
	v12 =	vadd.f32 v12, v18;
	v11 =	vmin.f32 v11, $1.842068100e+01;
	v21 =	vmul.f32 v46, v34;
	[sflag:s13] =	ssyncset.done $0x0  }
0x6e: {  	s22 =	sand.u32 $0x60, s21;
	s17 =	sand.u32 $0xC00, s21;
	v5 =	vmul.f32 v5, v5;
	v8 =	vmul.f32 v11, v8;
	v18 =	vadd.f32 $4.000000060e-01, v20;
	[sflag:s13] =	ssyncadd.s32 $0xFFFFC000  }
0x6f: {  	s19 =	sand.u32 $0x3000, s19;
	s17 =	sor.u32 s17, s22;
	v47 =	vshll.u32 v31, $0x1F;
	v10 =	vmul.f32 v6, v10;
	v11 =	vadd.f32 $6.666666860e-01, v21;
	_ =	swait.ge [sflag:s13], $0x4000  }
0x70: {  	s23 =	sand.u32 $0x380, s20;
	s17 =	sor.u32 s19, s17;
	v3 =	vxor.u32 v3, v47;
	v7 =	vmul.f32 v26, v7;
	v18 =	vmul.f32 v18, v36;
	[sflag:s13] =	ssyncset.done $0x0  }
0x71: {  	s21 =	sor.u32 s23, s17;
	v8 =	vadd.f32 v8, v9;
	vm1 =	vlt.s32 v3, $0x0;
	v9 =	vmul.f32 v11, v34;
	[sflag:s13] =	ssyncadd.s32 $0xFFFFC000  }
0x72: {  	v4 =	vmul.f32 v7, v4;
	v20 =	vmin.f32 v12, $1.842068100e+01;
	v18 =	vadd.f32 $6.666666860e-01, v18;
	v12 =	vld [tilespmem:s21+$0x4010]  }
0x73: {  	v6 =	vsel vm1, v10, v6;
	v49 =	vmul.f32 v27, v14;
	v9 =	vadd.f32 $2.000000000e+00, v9;
	v11 =	vld [tilespmem:s21+$0x4000]  }
0x74: {  	v3 =	vmax.f32 v3, $0.0e+00;
	v6 =	vmul.f32 v6, v6;
	v18 =	vmul.f32 v18, v36  }
0x75: {  	v5 =	vmul.f32 v20, v5;
	v20 =	vshll.u32 v42, $0x1F;
	v9 =	vmul.f32 v9, v43  }
0x76: {  	v2 =	vxor.u32 v2, v20;
	v20 =	vmul.f32 v28, v13;
	v18 =	vadd.f32 $2.000000000e+00, v18  }
0x77: {  	v22 =	vmul.f32 v32, v49;
	v3 =	vadd.f32 v9, v3;
	v48 =	vor.u32 $0x80000000, v12  }
0x78: {  	v9 =	vmul.f32 v18, v19;
	v50 =	vor.u32 $0x80000000, v11;
	v21 =	vmul.f32 $1.442695020e+00, v48  }
0x79: {  	v18 =	vmul.f32 v17, v20;
	v23 =	vmul.f32 $1.442695020e+00, v50  }
0x7a: {  	v10 =	vmul.f32 v22, v22;
	(erf) = vpow2.f32 v21  }
0x7b: {  	s24 =	simm.s32 $0x100;
	s25 =	simm.s32 $0x20;
	vm0 =	vlt.s32 v2, $0x0;
	v2 =	vmax.f32 v2, $0.0e+00;
	(erf) = vpow2.f32 v23  }
0x7c: {  	s26 =	simm.s32 $0x20;
	s18 =	sand.u32 $0x60, s25;
	s17 =	sand.u32 $0xC00, s24;
	v4 =	vsel vm0, v4, v7;
	v7 =	vmul.f32 v18, v18;
	v19 =	vmul.f32 $2.857142980e-01, v10  }
0x7d: {  	s28 =	simm.s32 $0x8;
	s19 =	sand.u32 $0x3000, s26;
	s17 =	sor.u32 s17, s18;
	v5 =	vadd.f32 v5, v8;
	v3 =	vmin.f32 v3, $1.842068100e+01;
	v9 =	vadd.f32 v9, v2  }
0x7e: {  	s29 =	sand.u32 $0x380, s28;
	s17 =	sor.u32 s19, s17;
	v3 =	vmul.f32 v3, v6;
	v8 =	vmul.f32 $2.857142980e-01, v7;
	v6 =	vadd.f32 $4.000000060e-01, v19  }
0x7f: {  	s17 =	sor.u32 s29, s17;
	v4 =	vmul.f32 v4, v4  }
0x80: {  	v9 =	vmin.f32 v9, $1.842068100e+01;
	v2 =	vld [tilespmem:s17+$0x4010];
	v8 =	vadd.f32 $4.000000060e-01, v8;
	v6 =	vmul.f32 v6, v10  }
0x81: {  	v3 =	vadd.f32 v3, v5;
	v5 =	vmul.f32 v9, v4;
	v9 =	vshll.u32 v33, $0x1F  }
0x82: {  	v19 =	vshll.u32 v35, $0x1F;
	v8 =	vmul.f32 v8, v7;
	v6 =	vadd.f32 $6.666666860e-01, v6  }
0x83: {  	v16 =	vmul.f32 v32, v16;
	v9 =	vxor.u32 v1, v9;
	v0 =	vxor.u32 v0, v19;
	v4 =	vpop (erf)  }
0x84: {  	vm1 =	vlt.s32 v0, $0x0;
	v8 =	vadd.f32 $6.666666860e-01, v8;
	v6 =	vmul.f32 v6, v10;
	v20 =	vpop (erf)  }
0x85: {  	v10 =	vor.u32 $0x80000000, v2;
	v51 =	vadd.f32 $1.000000000e+00, v20;
	v52 =	vadd.f32 $2.000000000e+00, v20  }
0x86: {  	v1 =	vld [tilespmem:s17+$0x4000];
	v10 =	vmul.f32 $1.442695020e+00, v10;
	v7 =	vmul.f32 v8, v7;
	v6 =	vadd.f32 $2.000000000e+00, v6  }
0x87: {  	v54 =	vadd.f32 $1.000000000e+00, v4;
	v55 =	vadd.f32 $2.000000000e+00, v4;
	v53 =	vmul.f32 v52, v51  }
0x88: {  	v8 =	vmul.f32 v17, v15;
	v7 =	vadd.f32 $2.000000000e+00, v7;
	v6 =	vmul.f32 v6, v22  }
0x89: {  	v15 =	vmax.f32 v0, $0.0e+00;
	v19 =	vmul.f32 v55, v54;
	(erf) = vrcp.f32 v53  }
0x8a: {  	v7 =	vmul.f32 v7, v18;
	v0 =	vadd.f32 v6, v15;
	(erf) = vpow2.f32 v10  }
0x8b: {  	v6 =	vmul.f32 v8, v13;
	v10 =	vor.u32 $0x80000000, v1;
	(erf) = vrcp.f32 v19  }
0x8c: {  	vm0 =	vlt.s32 v9, $0x0;
	v9 =	vmax.f32 v9, $0.0e+00;
	v10 =	vmul.f32 $1.442695020e+00, v10  }
0x8d: {  	v14 =	vmul.f32 v16, v14;
	v7 =	vadd.f32 v7, v9;
	v6 =	vsel vm0, v6, v8  }
0x8e: {  	v6 =	vmul.f32 v6, v6;
	(erf) = vpow2.f32 v10  }
0x8f: {  	v7 =	vmin.f32 v7, $1.842068100e+01  }
0x90: {  	v6 =	vmul.f32 v7, v6;
	v10 =	vsel vm1, v14, v16  }
0x91: {  	s20 =	simm.s32 $0x40;
	s19 =	simm.s32 $0x200;
	v7 =	vld [tilespmem:s21+$0xC000];
	v8 =	vmul.f32 v51, v20;
	v10 =	vmul.f32 v10, v10  }
0x92: {  	s30 =	sand.u32 $0x60, s20;
	s22 =	simm.s32 $0x40;
	s23 =	sand.u32 $0xC00, s19;
	v0 =	vmin.f32 v0, $1.842068100e+01;
	v9 =	vmul.f32 v54, v4;
	v14 =	vpop (erf)  }
0x93: {  	s22 =	sand.u32 $0x3000, s22;
	s24 =	simm.s32 $0x10;
	s18 =	sor.u32 s23, s30;
	v3 =	vadd.f32 v5, v3;
	v0 =	vmul.f32 v0, v10;
	v17 =	vmul.f32 v14, v8;
	v5 =	vpop (erf)  }
0x94: {  	s31 =	sand.u32 $0x380, s24;
	s18 =	sor.u32 s22, s18;
	v18 =	vpop (erf)  }
0x95: {  	s18 =	sor.u32 s31, s18;
	v3 =	vadd.f32 v0, v3;
	v16 =	vmul.f32 v17, v17;
	v10 =	vmul.f32 v18, v9  }
0x96: {  	v57 =	vshll.u32 v7, $0x1F;
	v0 =	vld [tilespmem:s18+$0x4010];
	v61 =	vadd.f32 $1.000000000e+00, v5;
	v7 =	vadd.f32 $2.000000000e+00, v5  }
0x97: {  	v15 =	vld [tilespmem:s21+$0xC010];
	v9 =	vadd.f32 v6, v3;
	v6 =	vpop (erf);
	v19 =	vmul.f32 $2.857142980e-01, v16;
	v56 =	vmul.f32 v10, v10  }
0x98: {  	v3 =	vld [tilespmem:s18+$0x4000];
	v13 =	vadd.f32 $1.000000000e+00, v6;
	v8 =	vadd.f32 $2.000000000e+00, v6  }
0x99: {  	v19 =	vadd.f32 $4.000000060e-01, v19;
	v58 =	vmul.f32 $2.857142980e-01, v56  }
0x9a: {  	v63 =	vmul.f32 v7, v61;
	v60 =	vmul.f32 v8, v13  }
0x9b: {  	v59 =	vor.u32 $0x80000000, v0;
	v19 =	vmul.f32 v19, v16;
	v24 =	vadd.f32 $4.000000060e-01, v58  }
0x9c: {  	v15 =	vshll.u32 v15, $0x1F;
	v25 =	vmul.f32 $1.442695020e+00, v59;
	(erf) = vrcp.f32 v60  }
0x9d: {  	v62 =	vor.u32 $0x80000000, v3;
	v19 =	vadd.f32 $6.666666860e-01, v19;
	v24 =	vmul.f32 v24, v56  }
0x9e: {  	v12 =	vxor.u32 v12, v15;
	v29 =	vmul.f32 $1.442695020e+00, v62;
	(erf) = vpow2.f32 v25  }
0x9f: {  	(erf) = vrcp.f32 v63;
	v19 =	vmul.f32 v19, v16;
	v24 =	vadd.f32 $6.666666860e-01, v24  }
0xa0: {  	vm0 =	vlt.s32 v12, $0x0;
	v15 =	vxor.u32 v11, v57;
	(erf) = vpow2.f32 v29  }
0xa1: {  	v16 =	vmul.f32 v14, v52;
	v19 =	vadd.f32 $2.000000000e+00, v19;
	v21 =	vmul.f32 v24, v56  }
0xa2: {  	vm1 =	vlt.s32 v15, $0x0;
	v11 =	vmul.f32 v61, v5;
	v14 =	vmul.f32 v18, v55  }
0xa3: {  	s21 =	simm.s32 $0x4;
	v18 =	vmul.f32 v16, v20;
	v17 =	vmul.f32 v19, v17;
	v19 =	vadd.f32 $2.000000000e+00, v21  }
.LBB2_4:
0xa4: {  	s21 =	sadd.s32 $0x2, s21;
	s19 =	sadd.s32 $0x100, s19;
	s20 =	sadd.s32 $0x20, s20;
	v13 =	vmul.f32 v13, v6;
	v15 =	vmax.f32 v15, $0.0e+00;
	v20 =	vmul.f32 v14, v4;
	v4 =	vmovc v5  }
0xa5: {  	s22 =	sand.u32 $0x60, s20;
	s23 =	sshll.u32 s21, $0x4;
	s24 =	sand.u32 $0xC00, s19;
	v21 =	vpop (erf);
	v16 =	vsel vm1, v18, v16;
	v15 =	vadd.f32 v17, v15;
	v10 =	vmul.f32 v19, v10  }
0xa6: {  	v12 =	vmax.f32 v12, $0.0e+00;
	s25 =	sshll.u32 s21, $0x2;
	s23 =	sand.u32 $0x3000, s23;
	s22 =	sor.u32 s24, s22;
	v17 =	vmul.f32 v21, v13;
	v13 =	vmul.f32 v16, v16  }
0xa7: {  	s24 =	sand.u32 $0x380, s25;
	v14 =	vsel vm0, v20, v14;
	s22 =	sor.u32 s23, s22;
	v5 =	vpop (erf);
	v16 =	vld [tilespmem:s17+$0xC010];
	v15 =	vmin.f32 v15, $1.842068100e+01;
	v12 =	vadd.f32 v10, v12  }
0xa8: {  	v14 =	vmul.f32 v14, v14;
	v18 =	vld [tilespmem:s17+$0xC000];
	v19 =	vpop (erf);
	v13 =	vmul.f32 v15, v13;
	s17 =	smov.u32 s18;
	s18 =	sor.u32 s24, s22  }
0xa9: {  	v22 =	vmul.f32 v17, v17;
	v15 =	vld [tilespmem:s18+$0x4010];
	v20 =	vpop (erf);
	v10 =	vmul.f32 v19, v11;
	v11 =	vmin.f32 v12, $1.842068100e+01  }
0xaa: {  	p0 =	slt.u32 s21, $0x3FE;
	v9 =	vadd.f32 v13, v9;
	v11 =	vmul.f32 v11, v14  }
0xab: {  	v13 =	vadd.f32 $1.000000000e+00, v20;
	v12 =	vmul.f32 $2.857142980e-01, v22;
	v14 =	vld [tilespmem:s18+$0x4000];
	v23 =	vmul.f32 v10, v10  }
0xac: {  	v24 =	vadd.f32 $2.000000000e+00, v20;
	v16 =	vshll.u32 v16, $0x1F;
	v9 =	vadd.f32 v11, v9  }
0xad: {  	v12 =	vadd.f32 $4.000000060e-01, v12;
	v11 =	vshll.u32 v18, $0x1F;
	v18 =	vmul.f32 $2.857142980e-01, v23  }
0xae: {  	v27 =	vadd.f32 $1.000000000e+00, v5;
	v26 =	vmul.f32 v24, v13;
	v25 =	vor.u32 $0x80000000, v15  }
0xaf: {  	v28 =	vadd.f32 $2.000000000e+00, v5;
	v12 =	vmul.f32 v12, v22;
	v18 =	vadd.f32 $4.000000060e-01, v18  }
0xb0: {  	v25 =	vmul.f32 $1.442695020e+00, v25;
	v29 =	vor.u32 $0x80000000, v14;
	(erf) = vrcp.f32 v26  }
0xb1: {  	v26 =	vmul.f32 v28, v27;
	v30 =	vadd.f32 $6.666666860e-01, v12;
	v18 =	vmul.f32 v18, v23  }
0xb2: {  	v12 =	vxor.u32 v2, v16;
	v2 =	vmovc v0;
	v0 =	vmovc v15;
	v29 =	vmul.f32 $1.442695020e+00, v29;
	(erf) = vpow2.f32 v25  }
.Ltmp1:
0xb3: {  	v22 =	vmul.f32 v30, v22;
	(erf) = vrcp.f32 v26;
	v18 =	vadd.f32 $6.666666860e-01, v18;
	(pc) =	sbr.rel @p0 .LBB2_4-.Ltmp1, $4  }
0xb4: {  	v15 =	vxor.u32 v1, v11;
	v1 =	vmovc v3;
	v3 =	vmovc v14;
	vm0 =	vlt.s32 v12, $0x0;
	(erf) = vpow2.f32 v29  }
0xb5: {  	v16 =	vmul.f32 v21, v8;
	v8 =	vmovc v24;
	v21 =	vadd.f32 $2.000000000e+00, v22;
	v22 =	vmul.f32 v18, v23  }
0xb6: {  	v11 =	vmul.f32 v27, v5;
	v14 =	vmul.f32 v19, v7;
	v7 =	vmovc v28;
	vm1 =	vlt.s32 v15, $0x0  }
0xb7: {  	v18 =	vmul.f32 v16, v6;
	v6 =	vmovc v20;
	v17 =	vmul.f32 v21, v17;
	v19 =	vadd.f32 $2.000000000e+00, v22  }
0xb8: {  	_ =	sdelay $0x1  }
0xb9: {  	v20 =	vpop (erf)  }
0xba: {  	v21 =	vpop (erf)  }
0xbb: {  	v22 =	vpop (erf)  }
0xbc: {  	v59 =	vpop (erf)  }
0xbd: {  	v13 =	vmul.f32 v13, v6;
	v60 =	vadd.f32 $1.000000000e+00, v59;
	v23 =	vadd.f32 $2.000000000e+00, v59  }
0xbe: {  	v4 =	vmul.f32 v14, v4;
	v15 =	vmax.f32 v15, $0.0e+00;
	v12 =	vmax.f32 v12, $0.0e+00  }
0xbf: {  	v25 =	vadd.f32 $1.000000000e+00, v21;
	v26 =	vadd.f32 $2.000000000e+00, v21;
	v24 =	vmul.f32 v23, v60  }
0xc0: {  	v28 =	vld [tilespmem:s17+$0xC010];
	v16 =	vsel vm1, v18, v16;
	v10 =	vmul.f32 v19, v10;
	v13 =	vmul.f32 v20, v13  }
0xc1: {  	v32 =	vld [tilespmem:s17+$0xC000];
	v15 =	vadd.f32 v17, v15;
	v61 =	vmul.f32 v26, v25;
	(erf) = vrcp.f32 v24  }
0xc2: {  	v48 =	vld [tilespmem:s18+$0xC010];
	v16 =	vmul.f32 v16, v16;
	v4 =	vsel vm0, v4, v14;
	v8 =	vmul.f32 v20, v8  }
0xc3: {  	v49 =	vld [tilespmem:s18+$0xC000];
	v15 =	vmin.f32 v15, $1.842068100e+01;
	v4 =	vmul.f32 v4, v4;
	(erf) = vrcp.f32 v61  }
0xc4: {  	v10 =	vadd.f32 v10, v12;
	v27 =	vmul.f32 v13, v13;
	v15 =	vmul.f32 v15, v16  }
0xc5: {  	v43 =	vmul.f32 v8, v6;
	v11 =	vmul.f32 v22, v11  }
0xc6: {  	v10 =	vmin.f32 v10, $1.842068100e+01;
	v35 =	vshll.u32 v28, $0x1F;
	v62 =	vmul.f32 $2.857142980e-01, v27  }
0xc7: {  	v37 =	vshll.u32 v32, $0x1F;
	v7 =	vmul.f32 v22, v7;
	v54 =	vshll.u32 v48, $0x1F  }
0xc8: {  	v55 =	vshll.u32 v49, $0x1F;
	v4 =	vmul.f32 v10, v4;
	v14 =	vadd.f32 $4.000000060e-01, v62  }
0xc9: {  	v9 =	vadd.f32 v15, v9;
	v40 =	vmul.f32 v25, v21;
	v38 =	vmul.f32 v60, v59  }
0xca: {  	v2 =	vxor.u32 v2, v35;
	v63 =	vmul.f32 v11, v11;
	v14 =	vmul.f32 v14, v27;
	v39 =	vpop (erf)  }
0xcb: {  	v1 =	vxor.u32 v1, v37;
	v0 =	vxor.u32 v0, v54;
	v12 =	vmul.f32 v39, v38  }
0xcc: {  	v3 =	vxor.u32 v3, v55;
	v33 =	vmul.f32 $2.857142980e-01, v63;
	v14 =	vadd.f32 $6.666666860e-01, v14;
	v41 =	vpop (erf)  }
0xcd: {  	vm12 =	vlt.s32 v2, $0x0;
	v10 =	vmul.f32 v41, v40;
	v42 =	vmul.f32 v12, v12  }
0xce: {  	vm13 =	vlt.s32 v1, $0x0;
	v34 =	vadd.f32 $4.000000060e-01, v33;
	v14 =	vmul.f32 v14, v27  }
0xcf: {  	v1 =	vmax.f32 v1, $0.0e+00;
	v45 =	vmul.f32 v10, v10;
	v44 =	vmul.f32 $2.857142980e-01, v42  }
0xd0: {  	v5 =	vmul.f32 v7, v5;
	v36 =	vmul.f32 v34, v63;
	v14 =	vadd.f32 $2.000000000e+00, v14  }
0xd1: {  	v2 =	vmax.f32 v2, $0.0e+00;
	v47 =	vmul.f32 $2.857142980e-01, v45;
	v46 =	vadd.f32 $4.000000060e-01, v44  }
0xd2: {  	vm14 =	vlt.s32 v3, $0x0;
	v15 =	vadd.f32 $6.666666860e-01, v36;
	v13 =	vmul.f32 v14, v13  }
0xd3: {  	v6 =	vsel vm13, v43, v8;
	v14 =	vadd.f32 $4.000000060e-01, v47;
	v8 =	vmul.f32 v46, v42  }
0xd4: {  	v3 =	vmax.f32 v3, $0.0e+00;
	v15 =	vmul.f32 v15, v63;
	v1 =	vadd.f32 v13, v1  }
0xd5: {  	v6 =	vmul.f32 v6, v6;
	v51 =	vmul.f32 v14, v45;
	v50 =	vadd.f32 $6.666666860e-01, v8  }
0xd6: {  	v4 =	vadd.f32 v4, v9;
	v15 =	vadd.f32 $2.000000000e+00, v15;
	v1 =	vmin.f32 v1, $1.842068100e+01  }
0xd7: {  	v1 =	vmul.f32 v1, v6;
	v53 =	vadd.f32 $6.666666860e-01, v51;
	v52 =	vmul.f32 v50, v42  }
0xd8: {  	vm15 =	vlt.s32 v0, $0x0;
	v56 =	vmul.f32 v39, v23;
	v11 =	vmul.f32 v15, v11  }
0xd9: {  	v1 =	vadd.f32 v1, v4;
	v6 =	vmul.f32 v53, v45;
	v4 =	vadd.f32 $2.000000000e+00, v52  }
0xda: {  	v5 =	vsel vm12, v5, v7;
	v57 =	vmul.f32 v41, v26;
	v58 =	vmul.f32 v56, v59  }
0xdb: {  	v2 =	vadd.f32 v11, v2;
	v6 =	vadd.f32 $2.000000000e+00, v6;
	v4 =	vmul.f32 v4, v12  }
0xdc: {  	v5 =	vmul.f32 v5, v5;
	v59 =	vmul.f32 v57, v21;
	v7 =	vsel vm14, v58, v56  }
0xdd: {  	v2 =	vmin.f32 v2, $1.842068100e+01;
	v60 =	vmul.f32 v6, v10;
	v3 =	vadd.f32 v4, v3  }
0xde: {  	v0 =	vmax.f32 v0, $0.0e+00;
	v61 =	vmul.f32 v7, v7;
	v2 =	vmul.f32 v2, v5  }
0xdf: {  	v5 =	vsel vm15, v59, v57;
	v0 =	vadd.f32 v60, v0;
	v3 =	vmin.f32 v3, $1.842068100e+01  }
0xe0: {  	v63 =	vmul.f32 v5, v5;
	v1 =	vadd.f32 v2, v1;
	v62 =	vmul.f32 v3, v61  }
0xe1: {  	v0 =	vmin.f32 v0, $1.842068100e+01  }
0xe2: {  	v0 =	vmul.f32 v0, v63;
	v1 =	vadd.f32 v62, v1;
	_ =	sdelay $0x1  }
0xe3: {  	s16 =	sadd.s32 $0x1, s16;
	v0 =	vadd.f32 v0, v1  }
0xe4: {  	p0 =	sne.s32 s16, s8  }
.Ltmp2:
0xe5: {  	[tilespmem:$0x10000] =	vst v0;
	(pc) =	sbr.rel @p0 .LBB2_1-.Ltmp2, $4  }
0xe6: {  	[hbm4b:s7+s2] =	stream.linear.scatter [tilespmem:s14], [sflag:$0x3], $0x80, $0x38;
	[tilespmem:$0x10080] =	vst v63  }
0xe7: {  	_ =	swait.ge [sflag:s15], $0x80  }
0xe8: {  	[sflag:s15] =	ssyncset.done $0x0  }
0xe9: {  	[sflag:s15] =	ssyncadd.s32 $0xFFFFFF80  }
0xea: {  	_ =	sfence.sel $0x180000  }
0xeb: {  	[bflag:$0x0] =	sbarrier.arrive $0xFFFF  }
0xec: {  	p0 =	sne.s32 s0, $0x0;
	_ =	strace $0x90000047  }
0xed: {  	s0 =	sadd.s32 @!p0 $0x100000, s1;
	[bflag:$0x2] =	sbarrier.arrive $0xFFFF  }
0xee: {  	[sflag:s0] =	ssyncadd.tile.s32 @!p0 $0x1;
	_ =	shalt  }
.Lfunc_end2:
_tile_overlayer_lowered:
.L_overlay_start_2:
0xef: {  	(tag) =	ssettag $0x2  }
0xf0: {  	s0 =	rddreg [dreg:$0x0];
	s2 =	stileid.u32  }
0xf1: {  	s1 =	rddreg [dreg:$0x1];
	p0 =	sne.s32 s2, $0x0  }
0xf2: {  	s3 =	rddreg [dreg:$0x2];
	[bflag:$0x3] =	sbarrier.arrive $0xFFFF;
	s2 =	simm.s32 @!p0 $0x1C03  }
0xf3: {  	[timem:s3], [sflag:s2] =	dma.local @!p0 [hbm:s0], s1  }
0xf4: {  	s0 =	simm.s32 @!p0 $0x3  }
0xf5: {  	_ =	swait.ge @!p0 [sflag:s0], s1  }
0xf6: {  	s1 =	ssub.s32 @!p0 $0x0, s1;
	[sflag:s0] =	ssyncset.done @!p0 $0x0  }
0xf7: {  	[sflag:s0] =	ssyncadd.s32 @!p0 s1  }
0xf8: {  	[bflag:$0x3] =	sbarrier.arrive $0xFFFF  }
0xf9: {  	_ =	shalt  }

</sc_bundles>
